<compile_context>
chip_gen: v7x
topology: tpu7x:2x2x1
jax: 0.10.2.dev20260603
libtpu: 0.0.44.dev20260713+nightly
codegen_flags: <defaults>
</compile_context>

<pallas_src>
import functools

import jax
import jax.numpy as jnp
from jax import lax
from jax.experimental import pallas as pl
from jax.experimental.pallas import tpu as pltpu
from jax.experimental.pallas import tpu_sc as plsc

N = 10000
E = 320000
H = 128
G = 64

NC = 2
NS = 16
NW = NC * NS
CHUNK = 128
EPW = 10240
EPAD = NW * EPW
RPW = E // NW
PPW = EPW - RPW
NPAD = 10240
RPT = NPAD // NS
DR = NPAD // H

BLK = 1024
NBLK = NPAD // BLK
DB = BLK // H


def _make_sc_agg(with_deg):
    mesh = plsc.VectorSubcoreMesh(core_axis_name="c", subcore_axis_name="s")
    if with_deg:
        out_type = [
            jax.ShapeDtypeStruct((NC, NPAD, H), jnp.float32),
            jax.ShapeDtypeStruct((NW, NPAD), jnp.float32),
        ]
    else:
        out_type = jax.ShapeDtypeStruct((NC, NPAD, H), jnp.float32)

    scratch = [
        pltpu.VMEM((4 * CHUNK,), jnp.int32),
        pltpu.VMEM((CHUNK, H), jnp.float32),
        pltpu.VMEM((CHUNK, H), jnp.float32),
        pltpu.VMEM_SHARED((NPAD, H), jnp.float32),
        pltpu.SemaphoreType.DMA,
        pltpu.SemaphoreType.DMA,
        pltpu.SemaphoreType.DMA,
        pltpu.SemaphoreType.DMA,
    ]
    if with_deg:
        scratch = scratch + [pltpu.VMEM((NPAD,), jnp.float32)]

    @functools.partial(
        pl.kernel, out_type=out_type, mesh=mesh, scratch_types=scratch,
        compiler_params=pltpu.CompilerParams(needs_layout_passes=False))
    def sc_agg(h_hbm, comb_hbm, zeros_hbm, zn_hbm, *rest):
        if with_deg:
            (out_hbm, deg_hbm, idx_v, rows0, rows1, acc,
             gsem0, gsem1, ssem0, ssem1, deg_v) = rest
        else:
            (out_hbm, idx_v, rows0, rows1, acc,
             gsem0, gsem1, ssem0, ssem1) = rest
        cid = lax.axis_index("c")
        sid = lax.axis_index("s")
        wid = cid * NS + sid

        pltpu.sync_copy(zeros_hbm, rows0)
        for k in range(RPT // CHUNK):
            pltpu.sync_copy(rows0, acc.at[pl.ds(sid * RPT + k * CHUNK, CHUNK)])
        if with_deg:
            pltpu.sync_copy(zn_hbm, deg_v)
        plsc.subcore_barrier()

        T = EPW // (2 * CHUNK)
        base0 = wid * T * (4 * CHUNK)
        ones16 = jnp.ones((16,), jnp.float32)

        def hist():
            if with_deg:
                for j in range(2 * CHUNK // 16):
                    dv = idx_v[pl.ds(2 * CHUNK + j * 16, 16)]
                    plsc.addupdate_scatter(deg_v, (dv,), ones16)

        pltpu.sync_copy(comb_hbm.at[pl.ds(base0, CHUNK)], idx_v.at[pl.ds(0, CHUNK)])
        sp0 = pltpu.async_copy(rows0, acc.at[idx_v.at[pl.ds(0, CHUNK)]],
                               ssem0, add=True)
        sp1 = pltpu.async_copy(rows0, acc.at[idx_v.at[pl.ds(0, CHUNK)]],
                               ssem1, add=True)

        def simple_body(t, carry):
            sp0.wait()
            sp1.wait()
            pltpu.sync_copy(
                comb_hbm.at[pl.ds(base0 + t * (4 * CHUNK), 4 * CHUNK)], idx_v)
            g0 = pltpu.async_copy(
                h_hbm.at[idx_v.at[pl.ds(0, CHUNK)]], rows0, gsem0)
            g1 = pltpu.async_copy(
                h_hbm.at[idx_v.at[pl.ds(CHUNK, CHUNK)]], rows1, gsem1)
            hist()
            g0.wait()
            pltpu.async_copy(rows0, acc.at[idx_v.at[pl.ds(2 * CHUNK, CHUNK)]],
                             ssem0, add=True)
            g1.wait()
            pltpu.async_copy(rows1, acc.at[idx_v.at[pl.ds(3 * CHUNK, CHUNK)]],
                             ssem1, add=True)
            return carry

        lax.fori_loop(0, T, simple_body, 0)

        sp0.wait()
        sp1.wait()

        plsc.subcore_barrier()

        pltpu.sync_copy(acc.at[pl.ds(sid * RPT, RPT)],
                        out_hbm.at[cid, pl.ds(sid * RPT, RPT)])
        if with_deg:
            pltpu.sync_copy(deg_v, deg_hbm.at[wid])

    return sc_agg


_sc_agg_l0 = _make_sc_agg(True)
_sc_agg_l1 = _make_sc_agg(False)


def _embed_body(x_ref, w_ref, b_ref, o_ref):
    o_ref[...] = jnp.dot(x_ref[...], w_ref[...],
                         preferred_element_type=jnp.float32) + b_ref[...]


def _tc_embed(xpad, w8, bvec):
    return pl.pallas_call(
        _embed_body,
        grid=(NBLK,),
        in_specs=[
            pl.BlockSpec((BLK, 8), lambda i: (i, 0)),
            pl.BlockSpec((8, H), lambda i: (0, 0)),
            pl.BlockSpec((1, H), lambda i: (0, 0)),
        ],
        out_specs=pl.BlockSpec((BLK, H), lambda i: (i, 0)),
        out_shape=jax.ShapeDtypeStruct((NPAD, H), jnp.float32),
    )(xpad, w8, bvec)


def _deg_to_col(d):
    nloc = lax.broadcasted_iota(jnp.int32, (BLK, DB), 0)
    sel_r = (lax.shift_right_logical(nloc, 7)
             == lax.broadcasted_iota(jnp.int32, (BLK, DB), 1)
             ).astype(jnp.float32)
    expanded = jnp.dot(sel_r, d, preferred_element_type=jnp.float32)
    nloc2 = lax.broadcasted_iota(jnp.int32, (BLK, H), 0)
    sel_c = (lax.bitwise_and(nloc2, 127)
             == lax.broadcasted_iota(jnp.int32, (BLK, H), 1)
             ).astype(jnp.float32)
    return jnp.sum(expanded * sel_c, axis=1, keepdims=True)


def _combine0_body(p0_ref, p1_ref, d_ref, z_ref,
                   wl_ref, bl_ref, wr_ref, z1_ref, inv_ref):
    deg = _deg_to_col(jnp.sum(d_ref[...], axis=0))
    inv = 1.0 / jnp.maximum(deg, 1.0)
    agg = (p0_ref[0] + p1_ref[0]) * inv
    z1 = jnp.dot(agg, wl_ref[...], preferred_element_type=jnp.float32)
    z1 = z1 + jnp.dot(z_ref[...], wr_ref[...],
                      preferred_element_type=jnp.float32)
    z1_ref[...] = jnp.maximum(z1 + bl_ref[...], 0.0)
    inv_ref[...] = jnp.broadcast_to(inv, (BLK, H))


def _tc_combine0(p, dp, z0, wl, bl, wr):
    return pl.pallas_call(
        _combine0_body,
        grid=(NBLK,),
        in_specs=[
            pl.BlockSpec((1, BLK, H), lambda i: (0, i, 0)),
            pl.BlockSpec((1, BLK, H), lambda i: (1, i, 0)),
            pl.BlockSpec((NW, DB, H), lambda i: (0, i, 0)),
            pl.BlockSpec((BLK, H), lambda i: (i, 0)),
            pl.BlockSpec((H, H), lambda i: (0, 0)),
            pl.BlockSpec((1, H), lambda i: (0, 0)),
            pl.BlockSpec((H, H), lambda i: (0, 0)),
        ],
        out_specs=[
            pl.BlockSpec((BLK, H), lambda i: (i, 0)),
            pl.BlockSpec((BLK, H), lambda i: (i, 0)),
        ],
        out_shape=[
            jax.ShapeDtypeStruct((NPAD, H), jnp.float32),
            jax.ShapeDtypeStruct((NPAD, H), jnp.float32),
        ],
    )(p, p, dp, z0, wl, bl, wr)


def _final_body(q0_ref, q1_ref, z1_ref, inv_ref, b_ref,
                wl_ref, bl_ref, wr_ref, wo_ref, bo_ref,
                o_ref, pool_acc, cnt_acc):
    i = pl.program_id(0)
    agg = (q0_ref[0] + q1_ref[0]) * inv_ref[...]
    z2 = jnp.dot(agg, wl_ref[...], preferred_element_type=jnp.float32)
    z2 = z2 + jnp.dot(z1_ref[...], wr_ref[...],
                      preferred_element_type=jnp.float32)
    z2 = jnp.maximum(z2 + bl_ref[...], 0.0)

    bids = b_ref[0]
    onehot = (lax.broadcasted_iota(jnp.int32, (G, BLK), 0) == bids
              ).astype(jnp.float32)
    pool_c = jnp.dot(onehot, z2, preferred_element_type=jnp.float32)
    cnt_c = jnp.dot(onehot, jnp.ones((BLK, H), jnp.float32),
                    preferred_element_type=jnp.float32)

    @pl.when(i == 0)
    def _():
        pool_acc[...] = pool_c
        cnt_acc[...] = cnt_c

    @pl.when(i > 0)
    def _():
        pool_acc[...] += pool_c
        cnt_acc[...] += cnt_c

    @pl.when(i == NBLK - 1)
    def _():
        pooled = pool_acc[...] / jnp.maximum(cnt_acc[...], 1.0)
        o_ref[...] = jnp.dot(pooled, wo_ref[...],
                             preferred_element_type=jnp.float32) + bo_ref[...]


def _tc_final(q, z1, invdeg, batch3d, wl, bl, wr, wo, bo):
    return pl.pallas_call(
        _final_body,
        grid=(NBLK,),
        in_specs=[
            pl.BlockSpec((1, BLK, H), lambda i: (0, i, 0)),
            pl.BlockSpec((1, BLK, H), lambda i: (1, i, 0)),
            pl.BlockSpec((BLK, H), lambda i: (i, 0)),
            pl.BlockSpec((BLK, H), lambda i: (i, 0)),
            pl.BlockSpec((1, 1, BLK), lambda i: (i, 0, 0)),
            pl.BlockSpec((H, H), lambda i: (0, 0)),
            pl.BlockSpec((1, H), lambda i: (0, 0)),
            pl.BlockSpec((H, H), lambda i: (0, 0)),
            pl.BlockSpec((H, H), lambda i: (0, 0)),
            pl.BlockSpec((1, H), lambda i: (0, 0)),
        ],
        out_specs=pl.BlockSpec((G, H), lambda i: (0, 0)),
        out_shape=jax.ShapeDtypeStruct((G, H), jnp.float32),
        scratch_shapes=[
            pltpu.VMEM((G, H), jnp.float32),
            pltpu.VMEM((G, H), jnp.float32),
        ],
    )(q, q, z1, invdeg, batch3d, wl, bl, wr, wo, bo)


def kernel(c, gm, pos, r, vid, edge_index, batch,
           W_num, b_num, W_l0, b_l0, W_r0, W_l1, b_l1, W_r1, W_out, b_out):
    f32 = jnp.float32
    x = jnp.stack([c, gm, pos, r, vid], axis=-1)
    xpad = jnp.pad(x, ((0, NPAD - N), (0, 3)))
    w8 = jnp.zeros((8, H), f32).at[:5].set(W_num)

    padv = jnp.broadcast_to(N + jnp.arange(PPW, dtype=jnp.int32), (NW, PPW))
    srcw = jnp.concatenate([edge_index[0].reshape(NW, RPW), padv], axis=1)
    dstw = jnp.concatenate([edge_index[1].reshape(NW, RPW), padv], axis=1)
    T = EPW // (2 * CHUNK)
    comb = jnp.stack([srcw.reshape(NW, T, 2 * CHUNK),
                      dstw.reshape(NW, T, 2 * CHUNK)], axis=2).reshape(-1)
    zeros = jnp.zeros((CHUNK, H), f32)
    zerosn = jnp.zeros((NPAD,), f32)

    z0 = _tc_embed(xpad, w8, b_num.reshape(1, H))

    p, dp = _sc_agg_l0(z0, comb, zeros, zerosn)
    dp3 = dp.reshape(NW, DR, H)
    z1, invdeg = _tc_combine0(p, dp3, z0, W_l0, b_l0.reshape(1, H), W_r0)

    q = _sc_agg_l1(z1, comb, zeros, zerosn)

    batch3d = jnp.pad(batch, (0, NPAD - N),
                      constant_values=G).reshape(NBLK, 1, BLK)
    wo = jnp.zeros((H, H), f32).at[:, :4].set(W_out)
    bo = jnp.zeros((1, H), f32).at[0, :4].set(b_out)
    pred_pad = _tc_final(q, z1, invdeg, batch3d, W_l1,
                         b_l1.reshape(1, H), W_r1, wo, bo)
    return pred_pad[:G, :4]

# --- scband reference (transcript-rebuilt; emitter-appended) ---
"""Pipeline reference for scband-gnn-89842125897936 (READ-ONLY COPY).

The authoritative reference and input builder live on the scoring server;
editing this copy changes nothing except your own understanding.
"""

import jax, jax.numpy as jnp
import numpy as np

N = 10000
E = 320000
H = 128
G = 64

def setup_inputs(seed: int = 0):
    key = jax.random.key(seed)
    ks = jax.random.split(key, 20)
    c = jax.random.normal(ks[0], (N,), jnp.float32)
    gm = jax.random.normal(ks[1], (N,), jnp.float32)
    pos = jax.random.normal(ks[2], (N,), jnp.float32)
    r = jax.random.normal(ks[3], (N,), jnp.float32)
    vid = jax.random.normal(ks[4], (N,), jnp.float32)
    edge_index = jax.random.randint(ks[5], (2, E), 0, N, dtype=jnp.int32)
    batch = jnp.sort(jax.random.randint(ks[6], (N,), 0, G, dtype=jnp.int32))
    s5 = 1.0 / np.sqrt(5.0)
    sH = 1.0 / np.sqrt(H)
    W_num = jax.random.uniform(ks[7], (5, H), jnp.float32, -s5, s5)
    b_num = jax.random.uniform(ks[8], (H,), jnp.float32, -s5, s5)
    W_l0 = jax.random.uniform(ks[9], (H, H), jnp.float32, -sH, sH)
    b_l0 = jax.random.uniform(ks[10], (H,), jnp.float32, -sH, sH)
    W_r0 = jax.random.uniform(ks[11], (H, H), jnp.float32, -sH, sH)
    W_l1 = jax.random.uniform(ks[12], (H, H), jnp.float32, -sH, sH)
    b_l1 = jax.random.uniform(ks[13], (H,), jnp.float32, -sH, sH)
    W_r1 = jax.random.uniform(ks[14], (H, H), jnp.float32, -sH, sH)
    W_out = jax.random.uniform(ks[15], (H, 4), jnp.float32, -sH, sH)
    b_out = jax.random.uniform(ks[16], (4,), jnp.float32, -sH, sH)
    return {"c": c, "gm": gm, "pos": pos, "r": r, "vid": vid,
            "edge_index": edge_index, "batch": batch,
            "W_num": W_num, "b_num": b_num,
            "W_l0": W_l0, "b_l0": b_l0, "W_r0": W_r0,
            "W_l1": W_l1, "b_l1": b_l1, "W_r1": W_r1,
            "W_out": W_out, "b_out": b_out}

def reference(c, gm, pos, r, vid, edge_index, batch,
              W_num, b_num, W_l0, b_l0, W_r0, W_l1, b_l1, W_r1, W_out, b_out):
    # stack numeric node features [N, 5] -> linear_num -> [N, H]
    x_num = jnp.stack([c, gm, pos, r, vid], axis=-1)
    z = x_num @ W_num + b_num
    src = edge_index[0]
    dst = edge_index[1]
    ones_e = jnp.ones((E,), jnp.float32)
    deg = jnp.maximum(jax.ops.segment_sum(ones_e, dst, num_segments=N), 1.0)

    def sage_conv(h, W_l, b_l, W_r):
        # mean aggregation of source-node features at destination nodes
        msg = jnp.take(h, src, axis=0)
        agg = jax.ops.segment_sum(msg, dst, num_segments=N) / deg[:, None]
        return agg @ W_l + b_l + h @ W_r

    # GraphSAGE with num_layers=2: relu between layers, none after last conv
    z = sage_conv(z, W_l0, b_l0, W_r0)
    z = jax.nn.relu(z)
    z = sage_conv(z, W_l1, b_l1, W_r1)
    # self.activation (relu)
    z = jax.nn.relu(z)
    # global_mean_pool over batch assignment
    ones_n = jnp.ones((N,), jnp.float32)
    cnt = jnp.maximum(jax.ops.segment_sum(ones_n, batch, num_segments=G), 1.0)
    pooled = jax.ops.segment_sum(z, batch, num_segments=G) / cnt[:, None]
    pred = pooled @ W_out + b_out
    return pred

if __name__ == "__main__":
    import jax
    _d = setup_inputs()
    print(jax.jit(kernel)(*tuple(_d.values())))

</pallas_src>

<mosaic_0001>
#map = affine_map<(d0, d1) -> (0, 0)>
#map1 = affine_map<(d0, d1) -> (0)>
#map2 = affine_map<(d0, d1) -> (0, 0, 0)>
module attributes {stable_mosaic.version = 14 : i64} {
  func.func @sc_agg(%arg0: i32, %arg1: i32, %arg2: memref<10240x128xf32, #tpu.memory_space<hbm>>, %arg3: memref<655360xi32, #tpu.memory_space<hbm>>, %arg4: memref<128x128xf32, #tpu.memory_space<hbm>>, %arg5: memref<10240xf32, #tpu.memory_space<hbm>>, %arg6: memref<2x10240x128xf32, #tpu.memory_space<hbm>>, %arg7: memref<32x10240xf32, #tpu.memory_space<hbm>>, %arg8: memref<512xi32, #tpu.memory_space<vmem>>, %arg9: memref<128x128xf32, #tpu.memory_space<vmem>>, %arg10: memref<128x128xf32, #tpu.memory_space<vmem>>, %arg11: memref<10240x128xf32, #tpu.memory_space<vmem_shared>>, %arg12: memref<!tpu.dma_semaphore, #tpu.memory_space<semaphore_mem>>, %arg13: memref<!tpu.dma_semaphore, #tpu.memory_space<semaphore_mem>>, %arg14: memref<!tpu.dma_semaphore, #tpu.memory_space<semaphore_mem>>, %arg15: memref<!tpu.dma_semaphore, #tpu.memory_space<semaphore_mem>>, %arg16: memref<10240xf32, #tpu.memory_space<vmem>>) attributes {dimension_semantics = [#tpu.dimension_semantics<core_parallel>, #tpu.dimension_semantics<subcore_parallel>], iteration_bounds = array<i64: 2, 16>, scalar_prefetch = 0 : i64, scratch_operands = 9 : i64, tpu.core_type = #tpu.core_type<sc_vector_subcore>, window_params = [{transform_indices = #map}, {transform_indices = #map1}, {transform_indices = #map}, {transform_indices = #map1}, {transform_indices = #map2}, {transform_indices = #map}]} {
    %mul3A = arith.constant 16 : i32
    %mul3A_0 = arith.muli %arg0, %mul3A : i32
    %add3A = arith.addi %mul3A_0, %arg1 : i32
    "tpu.region"() ({
      %run_scoped3A = tpu.sem_alloc : memref<!tpu.dma_semaphore, #tpu.memory_space<semaphore_mem>>
      tpu.enqueue_dma source(%arg4 : memref<128x128xf32, #tpu.memory_space<hbm>>) target(%arg9 : memref<128x128xf32, #tpu.memory_space<vmem>>) target_semaphore(%run_scoped3A : memref<!tpu.dma_semaphore, #tpu.memory_space<semaphore_mem>>)
      tpu.wait_dma2 semaphore(%run_scoped3A : memref<!tpu.dma_semaphore, #tpu.memory_space<semaphore_mem>>) src(%arg4 : memref<128x128xf32, #tpu.memory_space<hbm>>) dst(%arg9 : memref<128x128xf32, #tpu.memory_space<vmem>>)
      tpu.yield
    }) : () -> ()
    %mul3A_1 = arith.constant 640 : i32
    %mul3A_2 = arith.muli %arg1, %mul3A_1 : i32
    %add3A_3 = arith.constant 0 : i32
    %add3A_4 = arith.addi %mul3A_2, %add3A_3 : i32
    "tpu.region"() ({
      %run_scoped3A = tpu.sem_alloc : memref<!tpu.dma_semaphore, #tpu.memory_space<semaphore_mem>>
      %dma_start3A_54 = arith.constant 0 : i32
      %dma_start3A_55 = tpu.memref_slice %arg11[%add3A_4, %dma_start3A_54] : memref<10240x128xf32, #tpu.memory_space<vmem_shared>> -> memref<128x128xf32, #tpu.memory_space<vmem_shared>>
      %dma_start3A_56 = arith.constant 0 : i32
      %dma_start3A_57 = tpu.memref_slice %arg11[%add3A_4, %dma_start3A_56] : memref<10240x128xf32, #tpu.memory_space<vmem_shared>> -> memref<128x128xf32, #tpu.memory_space<vmem_shared>>
      tpu.enqueue_dma source(%arg9 : memref<128x128xf32, #tpu.memory_space<vmem>>) target(%dma_start3A_57 : memref<128x128xf32, #tpu.memory_space<vmem_shared>>) target_semaphore(%run_scoped3A : memref<!tpu.dma_semaphore, #tpu.memory_space<semaphore_mem>>)
      %dma_wait3A_58 = arith.constant 0 : i32
      %dma_wait3A_59 = tpu.memref_slice %arg11[%add3A_4, %dma_wait3A_58] : memref<10240x128xf32, #tpu.memory_space<vmem_shared>> -> memref<128x128xf32, #tpu.memory_space<vmem_shared>>
      %dma_wait3A_60 = arith.constant 0 : i32
      %dma_wait3A_61 = tpu.memref_slice %arg11[%add3A_4, %dma_wait3A_60] : memref<10240x128xf32, #tpu.memory_space<vmem_shared>> -> memref<128x128xf32, #tpu.memory_space<vmem_shared>>
      tpu.wait_dma2 semaphore(%run_scoped3A : memref<!tpu.dma_semaphore, #tpu.memory_space<semaphore_mem>>) src(%arg9 : memref<128x128xf32, #tpu.memory_space<vmem>>) dst(%dma_wait3A_61 : memref<128x128xf32, #tpu.memory_space<vmem_shared>>)
      tpu.yield
    }) : () -> ()
    %mul3A_5 = arith.constant 640 : i32
    %mul3A_6 = arith.muli %arg1, %mul3A_5 : i32
    %add3A_7 = arith.constant 128 : i32
    %add3A_8 = arith.addi %mul3A_6, %add3A_7 : i32
    "tpu.region"() ({
      %run_scoped3A = tpu.sem_alloc : memref<!tpu.dma_semaphore, #tpu.memory_space<semaphore_mem>>
      %dma_start3A_54 = arith.constant 0 : i32
      %dma_start3A_55 = tpu.memref_slice %arg11[%add3A_8, %dma_start3A_54] : memref<10240x128xf32, #tpu.memory_space<vmem_shared>> -> memref<128x128xf32, #tpu.memory_space<vmem_shared>>
      %dma_start3A_56 = arith.constant 0 : i32
      %dma_start3A_57 = tpu.memref_slice %arg11[%add3A_8, %dma_start3A_56] : memref<10240x128xf32, #tpu.memory_space<vmem_shared>> -> memref<128x128xf32, #tpu.memory_space<vmem_shared>>
      tpu.enqueue_dma source(%arg9 : memref<128x128xf32, #tpu.memory_space<vmem>>) target(%dma_start3A_57 : memref<128x128xf32, #tpu.memory_space<vmem_shared>>) target_semaphore(%run_scoped3A : memref<!tpu.dma_semaphore, #tpu.memory_space<semaphore_mem>>)
      %dma_wait3A_58 = arith.constant 0 : i32
      %dma_wait3A_59 = tpu.memref_slice %arg11[%add3A_8, %dma_wait3A_58] : memref<10240x128xf32, #tpu.memory_space<vmem_shared>> -> memref<128x128xf32, #tpu.memory_space<vmem_shared>>
      %dma_wait3A_60 = arith.constant 0 : i32
      %dma_wait3A_61 = tpu.memref_slice %arg11[%add3A_8, %dma_wait3A_60] : memref<10240x128xf32, #tpu.memory_space<vmem_shared>> -> memref<128x128xf32, #tpu.memory_space<vmem_shared>>
      tpu.wait_dma2 semaphore(%run_scoped3A : memref<!tpu.dma_semaphore, #tpu.memory_space<semaphore_mem>>) src(%arg9 : memref<128x128xf32, #tpu.memory_space<vmem>>) dst(%dma_wait3A_61 : memref<128x128xf32, #tpu.memory_space<vmem_shared>>)
      tpu.yield
    }) : () -> ()
    %mul3A_9 = arith.constant 640 : i32
    %mul3A_10 = arith.muli %arg1, %mul3A_9 : i32
    %add3A_11 = arith.constant 256 : i32
    %add3A_12 = arith.addi %mul3A_10, %add3A_11 : i32
    "tpu.region"() ({
      %run_scoped3A = tpu.sem_alloc : memref<!tpu.dma_semaphore, #tpu.memory_space<semaphore_mem>>
      %dma_start3A_54 = arith.constant 0 : i32
      %dma_start3A_55 = tpu.memref_slice %arg11[%add3A_12, %dma_start3A_54] : memref<10240x128xf32, #tpu.memory_space<vmem_shared>> -> memref<128x128xf32, #tpu.memory_space<vmem_shared>>
      %dma_start3A_56 = arith.constant 0 : i32
      %dma_start3A_57 = tpu.memref_slice %arg11[%add3A_12, %dma_start3A_56] : memref<10240x128xf32, #tpu.memory_space<vmem_shared>> -> memref<128x128xf32, #tpu.memory_space<vmem_shared>>
      tpu.enqueue_dma source(%arg9 : memref<128x128xf32, #tpu.memory_space<vmem>>) target(%dma_start3A_57 : memref<128x128xf32, #tpu.memory_space<vmem_shared>>) target_semaphore(%run_scoped3A : memref<!tpu.dma_semaphore, #tpu.memory_space<semaphore_mem>>)
      %dma_wait3A_58 = arith.constant 0 : i32
      %dma_wait3A_59 = tpu.memref_slice %arg11[%add3A_12, %dma_wait3A_58] : memref<10240x128xf32, #tpu.memory_space<vmem_shared>> -> memref<128x128xf32, #tpu.memory_space<vmem_shared>>
      %dma_wait3A_60 = arith.constant 0 : i32
      %dma_wait3A_61 = tpu.memref_slice %arg11[%add3A_12, %dma_wait3A_60] : memref<10240x128xf32, #tpu.memory_space<vmem_shared>> -> memref<128x128xf32, #tpu.memory_space<vmem_shared>>
      tpu.wait_dma2 semaphore(%run_scoped3A : memref<!tpu.dma_semaphore, #tpu.memory_space<semaphore_mem>>) src(%arg9 : memref<128x128xf32, #tpu.memory_space<vmem>>) dst(%dma_wait3A_61 : memref<128x128xf32, #tpu.memory_space<vmem_shared>>)
      tpu.yield
    }) : () -> ()
    %mul3A_13 = arith.constant 640 : i32
    %mul3A_14 = arith.muli %arg1, %mul3A_13 : i32
    %add3A_15 = arith.constant 384 : i32
    %add3A_16 = arith.addi %mul3A_14, %add3A_15 : i32
    "tpu.region"() ({
      %run_scoped3A = tpu.sem_alloc : memref<!tpu.dma_semaphore, #tpu.memory_space<semaphore_mem>>
      %dma_start3A_54 = arith.constant 0 : i32
      %dma_start3A_55 = tpu.memref_slice %arg11[%add3A_16, %dma_start3A_54] : memref<10240x128xf32, #tpu.memory_space<vmem_shared>> -> memref<128x128xf32, #tpu.memory_space<vmem_shared>>
      %dma_start3A_56 = arith.constant 0 : i32
      %dma_start3A_57 = tpu.memref_slice %arg11[%add3A_16, %dma_start3A_56] : memref<10240x128xf32, #tpu.memory_space<vmem_shared>> -> memref<128x128xf32, #tpu.memory_space<vmem_shared>>
      tpu.enqueue_dma source(%arg9 : memref<128x128xf32, #tpu.memory_space<vmem>>) target(%dma_start3A_57 : memref<128x128xf32, #tpu.memory_space<vmem_shared>>) target_semaphore(%run_scoped3A : memref<!tpu.dma_semaphore, #tpu.memory_space<semaphore_mem>>)
      %dma_wait3A_58 = arith.constant 0 : i32
      %dma_wait3A_59 = tpu.memref_slice %arg11[%add3A_16, %dma_wait3A_58] : memref<10240x128xf32, #tpu.memory_space<vmem_shared>> -> memref<128x128xf32, #tpu.memory_space<vmem_shared>>
      %dma_wait3A_60 = arith.constant 0 : i32
      %dma_wait3A_61 = tpu.memref_slice %arg11[%add3A_16, %dma_wait3A_60] : memref<10240x128xf32, #tpu.memory_space<vmem_shared>> -> memref<128x128xf32, #tpu.memory_space<vmem_shared>>
      tpu.wait_dma2 semaphore(%run_scoped3A : memref<!tpu.dma_semaphore, #tpu.memory_space<semaphore_mem>>) src(%arg9 : memref<128x128xf32, #tpu.memory_space<vmem>>) dst(%dma_wait3A_61 : memref<128x128xf32, #tpu.memory_space<vmem_shared>>)
      tpu.yield
    }) : () -> ()
    %mul3A_17 = arith.constant 640 : i32
    %mul3A_18 = arith.muli %arg1, %mul3A_17 : i32
    %add3A_19 = arith.constant 512 : i32
    %add3A_20 = arith.addi %mul3A_18, %add3A_19 : i32
    "tpu.region"() ({
      %run_scoped3A = tpu.sem_alloc : memref<!tpu.dma_semaphore, #tpu.memory_space<semaphore_mem>>
      %dma_start3A_54 = arith.constant 0 : i32
      %dma_start3A_55 = tpu.memref_slice %arg11[%add3A_20, %dma_start3A_54] : memref<10240x128xf32, #tpu.memory_space<vmem_shared>> -> memref<128x128xf32, #tpu.memory_space<vmem_shared>>
      %dma_start3A_56 = arith.constant 0 : i32
      %dma_start3A_57 = tpu.memref_slice %arg11[%add3A_20, %dma_start3A_56] : memref<10240x128xf32, #tpu.memory_space<vmem_shared>> -> memref<128x128xf32, #tpu.memory_space<vmem_shared>>
      tpu.enqueue_dma source(%arg9 : memref<128x128xf32, #tpu.memory_space<vmem>>) target(%dma_start3A_57 : memref<128x128xf32, #tpu.memory_space<vmem_shared>>) target_semaphore(%run_scoped3A : memref<!tpu.dma_semaphore, #tpu.memory_space<semaphore_mem>>)
      %dma_wait3A_58 = arith.constant 0 : i32
      %dma_wait3A_59 = tpu.memref_slice %arg11[%add3A_20, %dma_wait3A_58] : memref<10240x128xf32, #tpu.memory_space<vmem_shared>> -> memref<128x128xf32, #tpu.memory_space<vmem_shared>>
      %dma_wait3A_60 = arith.constant 0 : i32
      %dma_wait3A_61 = tpu.memref_slice %arg11[%add3A_20, %dma_wait3A_60] : memref<10240x128xf32, #tpu.memory_space<vmem_shared>> -> memref<128x128xf32, #tpu.memory_space<vmem_shared>>
      tpu.wait_dma2 semaphore(%run_scoped3A : memref<!tpu.dma_semaphore, #tpu.memory_space<semaphore_mem>>) src(%arg9 : memref<128x128xf32, #tpu.memory_space<vmem>>) dst(%dma_wait3A_61 : memref<128x128xf32, #tpu.memory_space<vmem_shared>>)
      tpu.yield
    }) : () -> ()
    "tpu.region"() ({
      %run_scoped3A = tpu.sem_alloc : memref<!tpu.dma_semaphore, #tpu.memory_space<semaphore_mem>>
      tpu.enqueue_dma source(%arg5 : memref<10240xf32, #tpu.memory_space<hbm>>) target(%arg16 : memref<10240xf32, #tpu.memory_space<vmem>>) target_semaphore(%run_scoped3A : memref<!tpu.dma_semaphore, #tpu.memory_space<semaphore_mem>>)
      tpu.wait_dma2 semaphore(%run_scoped3A : memref<!tpu.dma_semaphore, #tpu.memory_space<semaphore_mem>>) src(%arg5 : memref<10240xf32, #tpu.memory_space<hbm>>) dst(%arg16 : memref<10240xf32, #tpu.memory_space<vmem>>)
      tpu.yield
    }) : () -> ()
    %barrier3A = arith.constant 0 : index
    tpu.barrier barrier_id(%barrier3A)
    %mul3A_21 = arith.constant 40 : i32
    %mul3A_22 = arith.muli %add3A, %mul3A_21 : i32
    %mul3A_23 = arith.constant 512 : i32
    %mul3A_24 = arith.muli %mul3A_22, %mul3A_23 : i32
    %broadcast_in_dim3A = arith.constant 1.000000e+00 : f32
    %broadcast_in_dim3A_25 = vector.broadcast %broadcast_in_dim3A : f32 to vector<16xf32>
    "tpu.region"() ({
      %run_scoped3A = tpu.sem_alloc : memref<!tpu.dma_semaphore, #tpu.memory_space<semaphore_mem>>
      %dma_start3A_54 = arith.constant 0 : i32
      %dma_start3A_55 = tpu.memref_slice %arg8[%dma_start3A_54] : memref<512xi32, #tpu.memory_space<vmem>> -> memref<128xi32, #tpu.memory_space<vmem>>
      %dma_start3A_56 = tpu.memref_slice %arg3[%mul3A_24] : memref<655360xi32, #tpu.memory_space<hbm>> -> memref<128xi32, #tpu.memory_space<hbm>>
      %dma_start3A_57 = arith.constant 0 : i32
      %dma_start3A_58 = tpu.memref_slice %arg8[%dma_start3A_57] : memref<512xi32, #tpu.memory_space<vmem>> -> memref<128xi32, #tpu.memory_space<vmem>>
      %dma_start3A_59 = tpu.memref_slice %arg3[%mul3A_24] : memref<655360xi32, #tpu.memory_space<hbm>> -> memref<128xi32, #tpu.memory_space<hbm>>
      tpu.enqueue_dma source(%dma_start3A_59 : memref<128xi32, #tpu.memory_space<hbm>>) target(%dma_start3A_58 : memref<128xi32, #tpu.memory_space<vmem>>) target_semaphore(%run_scoped3A : memref<!tpu.dma_semaphore, #tpu.memory_space<semaphore_mem>>)
      %dma_wait3A_60 = arith.constant 0 : i32
      %dma_wait3A_61 = tpu.memref_slice %arg8[%dma_wait3A_60] : memref<512xi32, #tpu.memory_space<vmem>> -> memref<128xi32, #tpu.memory_space<vmem>>
      %dma_wait3A_62 = tpu.memref_slice %arg3[%mul3A_24] : memref<655360xi32, #tpu.memory_space<hbm>> -> memref<128xi32, #tpu.memory_space<hbm>>
      %dma_wait3A_63 = arith.constant 0 : i32
      %dma_wait3A_64 = tpu.memref_slice %arg8[%dma_wait3A_63] : memref<512xi32, #tpu.memory_space<vmem>> -> memref<128xi32, #tpu.memory_space<vmem>>
      %dma_wait3A_65 = tpu.memref_slice %arg3[%mul3A_24] : memref<655360xi32, #tpu.memory_space<hbm>> -> memref<128xi32, #tpu.memory_space<hbm>>
      tpu.wait_dma2 semaphore(%run_scoped3A : memref<!tpu.dma_semaphore, #tpu.memory_space<semaphore_mem>>) src(%dma_wait3A_65 : memref<128xi32, #tpu.memory_space<hbm>>) dst(%dma_wait3A_64 : memref<128xi32, #tpu.memory_space<vmem>>)
      tpu.yield
    }) : () -> ()
    %dma_start3A = arith.constant 0 : i32
    %dma_start3A_26 = tpu.memref_slice %arg8[%dma_start3A] : memref<512xi32, #tpu.memory_space<vmem>> -> memref<128xi32, #tpu.memory_space<vmem>>
    %dma_start3A_27 = arith.constant 0 : i32
    %dma_start3A_28 = arith.constant 0 : i32
    %dma_start3A_29 = tpu.memref_slice %arg11[%dma_start3A_27, %dma_start3A_28] : memref<10240x128xf32, #tpu.memory_space<vmem_shared>> -> memref<10240x128xf32, #tpu.memory_space<vmem_shared>>
    tpu.enqueue_indirect_dma source(%arg9 : memref<128x128xf32, #tpu.memory_space<vmem>>) target(%dma_start3A_29 : memref<10240x128xf32, #tpu.memory_space<vmem_shared>>) offsets(%dma_start3A_26 : memref<128xi32, #tpu.memory_space<vmem>>) semaphore(%arg14 : memref<!tpu.dma_semaphore, #tpu.memory_space<semaphore_mem>>) {add = true}
    %dma_start3A_30 = arith.constant 0 : i32
    %dma_start3A_31 = tpu.memref_slice %arg8[%dma_start3A_30] : memref<512xi32, #tpu.memory_space<vmem>> -> memref<128xi32, #tpu.memory_space<vmem>>
    %dma_start3A_32 = arith.constant 0 : i32
    %dma_start3A_33 = arith.constant 0 : i32
    %dma_start3A_34 = tpu.memref_slice %arg11[%dma_start3A_32, %dma_start3A_33] : memref<10240x128xf32, #tpu.memory_space<vmem_shared>> -> memref<10240x128xf32, #tpu.memory_space<vmem_shared>>
    tpu.enqueue_indirect_dma source(%arg9 : memref<128x128xf32, #tpu.memory_space<vmem>>) target(%dma_start3A_34 : memref<10240x128xf32, #tpu.memory_space<vmem_shared>>) offsets(%dma_start3A_31 : memref<128xi32, #tpu.memory_space<vmem>>) semaphore(%arg15 : memref<!tpu.dma_semaphore, #tpu.memory_space<semaphore_mem>>) {add = true}
    %scan3A = arith.constant 0 : i32
    %scan3A_35 = arith.constant 0 : i32
    %scan3A_36 = arith.constant 40 : i32
    %scan3A_37 = arith.addi %scan3A_35, %scan3A_36 : i32
    %scan3A_38 = arith.constant 1 : i32
    scf.for %scan3A_54 = %scan3A_35 to %scan3A_37 step %scan3A_38  : i32 {
      %dma_wait3A_55 = arith.constant 0 : i32
      %dma_wait3A_56 = tpu.memref_slice %arg8[%dma_wait3A_55] : memref<512xi32, #tpu.memory_space<vmem>> -> memref<128xi32, #tpu.memory_space<vmem>>
      %dma_wait3A_57 = arith.constant 0 : i32
      %dma_wait3A_58 = arith.constant 0 : i32
      %dma_wait3A_59 = tpu.memref_slice %arg11[%dma_wait3A_57, %dma_wait3A_58] : memref<10240x128xf32, #tpu.memory_space<vmem_shared>> -> memref<10240x128xf32, #tpu.memory_space<vmem_shared>>
      tpu.wait_indirect_dma semaphore(%arg14 : memref<!tpu.dma_semaphore, #tpu.memory_space<semaphore_mem>>) src(%arg9 : memref<128x128xf32, #tpu.memory_space<vmem>>) dst(%dma_wait3A_59 : memref<10240x128xf32, #tpu.memory_space<vmem_shared>>)
      %dma_wait3A_60 = arith.constant 0 : i32
      %dma_wait3A_61 = tpu.memref_slice %arg8[%dma_wait3A_60] : memref<512xi32, #tpu.memory_space<vmem>> -> memref<128xi32, #tpu.memory_space<vmem>>
      %dma_wait3A_62 = arith.constant 0 : i32
      %dma_wait3A_63 = arith.constant 0 : i32
      %dma_wait3A_64 = tpu.memref_slice %arg11[%dma_wait3A_62, %dma_wait3A_63] : memref<10240x128xf32, #tpu.memory_space<vmem_shared>> -> memref<10240x128xf32, #tpu.memory_space<vmem_shared>>
      tpu.wait_indirect_dma semaphore(%arg15 : memref<!tpu.dma_semaphore, #tpu.memory_space<semaphore_mem>>) src(%arg9 : memref<128x128xf32, #tpu.memory_space<vmem>>) dst(%dma_wait3A_64 : memref<10240x128xf32, #tpu.memory_space<vmem_shared>>)
      %mul3A_65 = arith.constant 512 : i32
      %mul3A_66 = arith.muli %scan3A_54, %mul3A_65 : i32
      %add3A_67 = arith.addi %mul3A_24, %mul3A_66 : i32
      "tpu.region"() ({
        %run_scoped3A = tpu.sem_alloc : memref<!tpu.dma_semaphore, #tpu.memory_space<semaphore_mem>>
        %dma_start3A_129 = tpu.memref_slice %arg3[%add3A_67] : memref<655360xi32, #tpu.memory_space<hbm>> -> memref<512xi32, #tpu.memory_space<hbm>>
        %dma_start3A_130 = tpu.memref_slice %arg3[%add3A_67] : memref<655360xi32, #tpu.memory_space<hbm>> -> memref<512xi32, #tpu.memory_space<hbm>>
        tpu.enqueue_dma source(%dma_start3A_130 : memref<512xi32, #tpu.memory_space<hbm>>) target(%arg8 : memref<512xi32, #tpu.memory_space<vmem>>) target_semaphore(%run_scoped3A : memref<!tpu.dma_semaphore, #tpu.memory_space<semaphore_mem>>)
        %dma_wait3A_131 = tpu.memref_slice %arg3[%add3A_67] : memref<655360xi32, #tpu.memory_space<hbm>> -> memref<512xi32, #tpu.memory_space<hbm>>
        %dma_wait3A_132 = tpu.memref_slice %arg3[%add3A_67] : memref<655360xi32, #tpu.memory_space<hbm>> -> memref<512xi32, #tpu.memory_space<hbm>>
        tpu.wait_dma2 semaphore(%run_scoped3A : memref<!tpu.dma_semaphore, #tpu.memory_space<semaphore_mem>>) src(%dma_wait3A_132 : memref<512xi32, #tpu.memory_space<hbm>>) dst(%arg8 : memref<512xi32, #tpu.memory_space<vmem>>)
        tpu.yield
      }) : () -> ()
      %dma_start3A_68 = arith.constant 0 : i32
      %dma_start3A_69 = tpu.memref_slice %arg8[%dma_start3A_68] : memref<512xi32, #tpu.memory_space<vmem>> -> memref<128xi32, #tpu.memory_space<vmem>>
      %dma_start3A_70 = arith.constant 0 : i32
      %dma_start3A_71 = arith.constant 0 : i32
      %dma_start3A_72 = tpu.memref_slice %arg2[%dma_start3A_70, %dma_start3A_71] : memref<10240x128xf32, #tpu.memory_space<hbm>> -> memref<10240x128xf32, #tpu.memory_space<hbm>>
      tpu.enqueue_indirect_dma source(%dma_start3A_72 : memref<10240x128xf32, #tpu.memory_space<hbm>>) target(%arg9 : memref<128x128xf32, #tpu.memory_space<vmem>>) offsets(%dma_start3A_69 : memref<128xi32, #tpu.memory_space<vmem>>) semaphore(%arg12 : memref<!tpu.dma_semaphore, #tpu.memory_space<semaphore_mem>>)
      %dma_start3A_73 = arith.constant 128 : i32
      %dma_start3A_74 = tpu.memref_slice %arg8[%dma_start3A_73] : memref<512xi32, #tpu.memory_space<vmem>> -> memref<128xi32, #tpu.memory_space<vmem>>
      %dma_start3A_75 = arith.constant 0 : i32
      %dma_start3A_76 = arith.constant 0 : i32
      %dma_start3A_77 = tpu.memref_slice %arg2[%dma_start3A_75, %dma_start3A_76] : memref<10240x128xf32, #tpu.memory_space<hbm>> -> memref<10240x128xf32, #tpu.memory_space<hbm>>
      tpu.enqueue_indirect_dma source(%dma_start3A_77 : memref<10240x128xf32, #tpu.memory_space<hbm>>) target(%arg10 : memref<128x128xf32, #tpu.memory_space<vmem>>) offsets(%dma_start3A_74 : memref<128xi32, #tpu.memory_space<vmem>>) semaphore(%arg13 : memref<!tpu.dma_semaphore, #tpu.memory_space<semaphore_mem>>)
      %get3A = arith.constant 256 : index
      %get3A_78 = tpu.vector_load %arg8[%get3A] {strides = array<i32>} : memref<512xi32, #tpu.memory_space<vmem>>, vector<16xi32>,
      tpu.vector_store_idx %arg16[%get3A_78], %broadcast_in_dim3A_25 {add = true} : memref<10240xf32, #tpu.memory_space<vmem>>[vector<16xi32>], vector<16xf32>,
      %get3A_79 = arith.constant 272 : index
      %get3A_80 = tpu.vector_load %arg8[%get3A_79] {strides = array<i32>} : memref<512xi32, #tpu.memory_space<vmem>>, vector<16xi32>,
      tpu.vector_store_idx %arg16[%get3A_80], %broadcast_in_dim3A_25 {add = true} : memref<10240xf32, #tpu.memory_space<vmem>>[vector<16xi32>], vector<16xf32>,
      %get3A_81 = arith.constant 288 : index
      %get3A_82 = tpu.vector_load %arg8[%get3A_81] {strides = array<i32>} : memref<512xi32, #tpu.memory_space<vmem>>, vector<16xi32>,
      tpu.vector_store_idx %arg16[%get3A_82], %broadcast_in_dim3A_25 {add = true} : memref<10240xf32, #tpu.memory_space<vmem>>[vector<16xi32>], vector<16xf32>,
      %get3A_83 = arith.constant 304 : index
      %get3A_84 = tpu.vector_load %arg8[%get3A_83] {strides = array<i32>} : memref<512xi32, #tpu.memory_space<vmem>>, vector<16xi32>,
      tpu.vector_store_idx %arg16[%get3A_84], %broadcast_in_dim3A_25 {add = true} : memref<10240xf32, #tpu.memory_space<vmem>>[vector<16xi32>], vector<16xf32>,
      %get3A_85 = arith.constant 320 : index
      %get3A_86 = tpu.vector_load %arg8[%get3A_85] {strides = array<i32>} : memref<512xi32, #tpu.memory_space<vmem>>, vector<16xi32>,
      tpu.vector_store_idx %arg16[%get3A_86], %broadcast_in_dim3A_25 {add = true} : memref<10240xf32, #tpu.memory_space<vmem>>[vector<16xi32>], vector<16xf32>,
      %get3A_87 = arith.constant 336 : index
      %get3A_88 = tpu.vector_load %arg8[%get3A_87] {strides = array<i32>} : memref<512xi32, #tpu.memory_space<vmem>>, vector<16xi32>,
      tpu.vector_store_idx %arg16[%get3A_88], %broadcast_in_dim3A_25 {add = true} : memref<10240xf32, #tpu.memory_space<vmem>>[vector<16xi32>], vector<16xf32>,
      %get3A_89 = arith.constant 352 : index
      %get3A_90 = tpu.vector_load %arg8[%get3A_89] {strides = array<i32>} : memref<512xi32, #tpu.memory_space<vmem>>, vector<16xi32>,
      tpu.vector_store_idx %arg16[%get3A_90], %broadcast_in_dim3A_25 {add = true} : memref<10240xf32, #tpu.memory_space<vmem>>[vector<16xi32>], vector<16xf32>,
      %get3A_91 = arith.constant 368 : index
      %get3A_92 = tpu.vector_load %arg8[%get3A_91] {strides = array<i32>} : memref<512xi32, #tpu.memory_space<vmem>>, vector<16xi32>,
      tpu.vector_store_idx %arg16[%get3A_92], %broadcast_in_dim3A_25 {add = true} : memref<10240xf32, #tpu.memory_space<vmem>>[vector<16xi32>], vector<16xf32>,
      %get3A_93 = arith.constant 384 : index
      %get3A_94 = tpu.vector_load %arg8[%get3A_93] {strides = array<i32>} : memref<512xi32, #tpu.memory_space<vmem>>, vector<16xi32>,
      tpu.vector_store_idx %arg16[%get3A_94], %broadcast_in_dim3A_25 {add = true} : memref<10240xf32, #tpu.memory_space<vmem>>[vector<16xi32>], vector<16xf32>,
      %get3A_95 = arith.constant 400 : index
      %get3A_96 = tpu.vector_load %arg8[%get3A_95] {strides = array<i32>} : memref<512xi32, #tpu.memory_space<vmem>>, vector<16xi32>,
      tpu.vector_store_idx %arg16[%get3A_96], %broadcast_in_dim3A_25 {add = true} : memref<10240xf32, #tpu.memory_space<vmem>>[vector<16xi32>], vector<16xf32>,
      %get3A_97 = arith.constant 416 : index
      %get3A_98 = tpu.vector_load %arg8[%get3A_97] {strides = array<i32>} : memref<512xi32, #tpu.memory_space<vmem>>, vector<16xi32>,
      tpu.vector_store_idx %arg16[%get3A_98], %broadcast_in_dim3A_25 {add = true} : memref<10240xf32, #tpu.memory_space<vmem>>[vector<16xi32>], vector<16xf32>,
      %get3A_99 = arith.constant 432 : index
      %get3A_100 = tpu.vector_load %arg8[%get3A_99] {strides = array<i32>} : memref<512xi32, #tpu.memory_space<vmem>>, vector<16xi32>,
      tpu.vector_store_idx %arg16[%get3A_100], %broadcast_in_dim3A_25 {add = true} : memref<10240xf32, #tpu.memory_space<vmem>>[vector<16xi32>], vector<16xf32>,
      %get3A_101 = arith.constant 448 : index
      %get3A_102 = tpu.vector_load %arg8[%get3A_101] {strides = array<i32>} : memref<512xi32, #tpu.memory_space<vmem>>, vector<16xi32>,
      tpu.vector_store_idx %arg16[%get3A_102], %broadcast_in_dim3A_25 {add = true} : memref<10240xf32, #tpu.memory_space<vmem>>[vector<16xi32>], vector<16xf32>,
      %get3A_103 = arith.constant 464 : index
      %get3A_104 = tpu.vector_load %arg8[%get3A_103] {strides = array<i32>} : memref<512xi32, #tpu.memory_space<vmem>>, vector<16xi32>,
      tpu.vector_store_idx %arg16[%get3A_104], %broadcast_in_dim3A_25 {add = true} : memref<10240xf32, #tpu.memory_space<vmem>>[vector<16xi32>], vector<16xf32>,
      %get3A_105 = arith.constant 480 : index
      %get3A_106 = tpu.vector_load %arg8[%get3A_105] {strides = array<i32>} : memref<512xi32, #tpu.memory_space<vmem>>, vector<16xi32>,
      tpu.vector_store_idx %arg16[%get3A_106], %broadcast_in_dim3A_25 {add = true} : memref<10240xf32, #tpu.memory_space<vmem>>[vector<16xi32>], vector<16xf32>,
      %get3A_107 = arith.constant 496 : index
      %get3A_108 = tpu.vector_load %arg8[%get3A_107] {strides = array<i32>} : memref<512xi32, #tpu.memory_space<vmem>>, vector<16xi32>,
      tpu.vector_store_idx %arg16[%get3A_108], %broadcast_in_dim3A_25 {add = true} : memref<10240xf32, #tpu.memory_space<vmem>>[vector<16xi32>], vector<16xf32>,
      %dma_wait3A_109 = arith.constant 0 : i32
      %dma_wait3A_110 = tpu.memref_slice %arg8[%dma_wait3A_109] : memref<512xi32, #tpu.memory_space<vmem>> -> memref<128xi32, #tpu.memory_space<vmem>>
      %dma_wait3A_111 = arith.constant 0 : i32
      %dma_wait3A_112 = arith.constant 0 : i32
      %dma_wait3A_113 = tpu.memref_slice %arg2[%dma_wait3A_111, %dma_wait3A_112] : memref<10240x128xf32, #tpu.memory_space<hbm>> -> memref<10240x128xf32, #tpu.memory_space<hbm>>
      tpu.wait_indirect_dma semaphore(%arg12 : memref<!tpu.dma_semaphore, #tpu.memory_space<semaphore_mem>>) src(%dma_wait3A_113 : memref<10240x128xf32, #tpu.memory_space<hbm>>) dst(%arg9 : memref<128x128xf32, #tpu.memory_space<vmem>>)
      %dma_start3A_114 = arith.constant 256 : i32
      %dma_start3A_115 = tpu.memref_slice %arg8[%dma_start3A_114] : memref<512xi32, #tpu.memory_space<vmem>> -> memref<128xi32, #tpu.memory_space<vmem>>
      %dma_start3A_116 = arith.constant 0 : i32
      %dma_start3A_117 = arith.constant 0 : i32
      %dma_start3A_118 = tpu.memref_slice %arg11[%dma_start3A_116, %dma_start3A_117] : memref<10240x128xf32, #tpu.memory_space<vmem_shared>> -> memref<10240x128xf32, #tpu.memory_space<vmem_shared>>
      tpu.enqueue_indirect_dma source(%arg9 : memref<128x128xf32, #tpu.memory_space<vmem>>) target(%dma_start3A_118 : memref<10240x128xf32, #tpu.memory_space<vmem_shared>>) offsets(%dma_start3A_115 : memref<128xi32, #tpu.memory_space<vmem>>) semaphore(%arg14 : memref<!tpu.dma_semaphore, #tpu.memory_space<semaphore_mem>>) {add = true}
      %dma_wait3A_119 = arith.constant 128 : i32
      %dma_wait3A_120 = tpu.memref_slice %arg8[%dma_wait3A_119] : memref<512xi32, #tpu.memory_space<vmem>> -> memref<128xi32, #tpu.memory_space<vmem>>
      %dma_wait3A_121 = arith.constant 0 : i32
      %dma_wait3A_122 = arith.constant 0 : i32
      %dma_wait3A_123 = tpu.memref_slice %arg2[%dma_wait3A_121, %dma_wait3A_122] : memref<10240x128xf32, #tpu.memory_space<hbm>> -> memref<10240x128xf32, #tpu.memory_space<hbm>>
      tpu.wait_indirect_dma semaphore(%arg13 : memref<!tpu.dma_semaphore, #tpu.memory_space<semaphore_mem>>) src(%dma_wait3A_123 : memref<10240x128xf32, #tpu.memory_space<hbm>>) dst(%arg10 : memref<128x128xf32, #tpu.memory_space<vmem>>)
      %dma_start3A_124 = arith.constant 384 : i32
      %dma_start3A_125 = tpu.memref_slice %arg8[%dma_start3A_124] : memref<512xi32, #tpu.memory_space<vmem>> -> memref<128xi32, #tpu.memory_space<vmem>>
      %dma_start3A_126 = arith.constant 0 : i32
      %dma_start3A_127 = arith.constant 0 : i32
      %dma_start3A_128 = tpu.memref_slice %arg11[%dma_start3A_126, %dma_start3A_127] : memref<10240x128xf32, #tpu.memory_space<vmem_shared>> -> memref<10240x128xf32, #tpu.memory_space<vmem_shared>>
      tpu.enqueue_indirect_dma source(%arg10 : memref<128x128xf32, #tpu.memory_space<vmem>>) target(%dma_start3A_128 : memref<10240x128xf32, #tpu.memory_space<vmem_shared>>) offsets(%dma_start3A_125 : memref<128xi32, #tpu.memory_space<vmem>>) semaphore(%arg15 : memref<!tpu.dma_semaphore, #tpu.memory_space<semaphore_mem>>) {add = true}
    }
    %scan3A_39 = arith.constant 40 : i32
    %dma_wait3A = arith.constant 0 : i32
    %dma_wait3A_40 = tpu.memref_slice %arg8[%dma_wait3A] : memref<512xi32, #tpu.memory_space<vmem>> -> memref<128xi32, #tpu.memory_space<vmem>>
    %dma_wait3A_41 = arith.constant 0 : i32
    %dma_wait3A_42 = arith.constant 0 : i32
    %dma_wait3A_43 = tpu.memref_slice %arg11[%dma_wait3A_41, %dma_wait3A_42] : memref<10240x128xf32, #tpu.memory_space<vmem_shared>> -> memref<10240x128xf32, #tpu.memory_space<vmem_shared>>
    tpu.wait_indirect_dma semaphore(%arg14 : memref<!tpu.dma_semaphore, #tpu.memory_space<semaphore_mem>>) src(%arg9 : memref<128x128xf32, #tpu.memory_space<vmem>>) dst(%dma_wait3A_43 : memref<10240x128xf32, #tpu.memory_space<vmem_shared>>)
    %dma_wait3A_44 = arith.constant 0 : i32
    %dma_wait3A_45 = tpu.memref_slice %arg8[%dma_wait3A_44] : memref<512xi32, #tpu.memory_space<vmem>> -> memref<128xi32, #tpu.memory_space<vmem>>
    %dma_wait3A_46 = arith.constant 0 : i32
    %dma_wait3A_47 = arith.constant 0 : i32
    %dma_wait3A_48 = tpu.memref_slice %arg11[%dma_wait3A_46, %dma_wait3A_47] : memref<10240x128xf32, #tpu.memory_space<vmem_shared>> -> memref<10240x128xf32, #tpu.memory_space<vmem_shared>>
    tpu.wait_indirect_dma semaphore(%arg15 : memref<!tpu.dma_semaphore, #tpu.memory_space<semaphore_mem>>) src(%arg9 : memref<128x128xf32, #tpu.memory_space<vmem>>) dst(%dma_wait3A_48 : memref<10240x128xf32, #tpu.memory_space<vmem_shared>>)
    %barrier3A_49 = arith.constant 0 : index
    tpu.barrier barrier_id(%barrier3A_49)
    %mul3A_50 = arith.constant 640 : i32
    %mul3A_51 = arith.muli %arg1, %mul3A_50 : i32
    %mul3A_52 = arith.constant 640 : i32
    %mul3A_53 = arith.muli %arg1, %mul3A_52 : i32
    "tpu.region"() ({
      %run_scoped3A = tpu.sem_alloc : memref<!tpu.dma_semaphore, #tpu.memory_space<semaphore_mem>>
      %dma_start3A_54 = arith.constant 0 : i32
      %dma_start3A_55 = tpu.memref_slice %arg6[%arg0, %mul3A_53, %dma_start3A_54] : memref<2x10240x128xf32, #tpu.memory_space<hbm>> -> memref<1x640x128xf32, #tpu.memory_space<hbm>>
      %dma_start3A_56 = tpu.memref_squeeze %dma_start3A_55 : memref<1x640x128xf32, #tpu.memory_space<hbm>> -> memref<640x128xf32, #tpu.memory_space<hbm>>
      %dma_start3A_57 = arith.constant 0 : i32
      %dma_start3A_58 = tpu.memref_slice %arg11[%mul3A_51, %dma_start3A_57] : memref<10240x128xf32, #tpu.memory_space<vmem_shared>> -> memref<640x128xf32, #tpu.memory_space<vmem_shared>>
      tpu.enqueue_dma source(%dma_start3A_58 : memref<640x128xf32, #tpu.memory_space<vmem_shared>>) target(%dma_start3A_56 : memref<640x128xf32, #tpu.memory_space<hbm>>) target_semaphore(%run_scoped3A : memref<!tpu.dma_semaphore, #tpu.memory_space<semaphore_mem>>)
      %dma_wait3A_59 = arith.constant 0 : i32
      %dma_wait3A_60 = tpu.memref_slice %arg6[%arg0, %mul3A_53, %dma_wait3A_59] : memref<2x10240x128xf32, #tpu.memory_space<hbm>> -> memref<1x640x128xf32, #tpu.memory_space<hbm>>
      %dma_wait3A_61 = tpu.memref_squeeze %dma_wait3A_60 : memref<1x640x128xf32, #tpu.memory_space<hbm>> -> memref<640x128xf32, #tpu.memory_space<hbm>>
      %dma_wait3A_62 = arith.constant 0 : i32
      %dma_wait3A_63 = tpu.memref_slice %arg11[%mul3A_51, %dma_wait3A_62] : memref<10240x128xf32, #tpu.memory_space<vmem_shared>> -> memref<640x128xf32, #tpu.memory_space<vmem_shared>>
      tpu.wait_dma2 semaphore(%run_scoped3A : memref<!tpu.dma_semaphore, #tpu.memory_space<semaphore_mem>>) src(%dma_wait3A_63 : memref<640x128xf32, #tpu.memory_space<vmem_shared>>) dst(%dma_wait3A_61 : memref<640x128xf32, #tpu.memory_space<hbm>>)
      tpu.yield
    }) : () -> ()
    "tpu.region"() ({
      %run_scoped3A = tpu.sem_alloc : memref<!tpu.dma_semaphore, #tpu.memory_space<semaphore_mem>>
      %dma_start3A_54 = arith.constant 0 : i32
      %dma_start3A_55 = tpu.memref_slice %arg7[%add3A, %dma_start3A_54] : memref<32x10240xf32, #tpu.memory_space<hbm>> -> memref<1x10240xf32, #tpu.memory_space<hbm>>
      %dma_start3A_56 = tpu.memref_squeeze %dma_start3A_55 : memref<1x10240xf32, #tpu.memory_space<hbm>> -> memref<10240xf32, #tpu.memory_space<hbm>>
      %dma_start3A_57 = arith.constant 0 : i32
      %dma_start3A_58 = tpu.memref_slice %arg7[%add3A, %dma_start3A_57] : memref<32x10240xf32, #tpu.memory_space<hbm>> -> memref<1x10240xf32, #tpu.memory_space<hbm>>
      %dma_start3A_59 = tpu.memref_squeeze %dma_start3A_58 : memref<1x10240xf32, #tpu.memory_space<hbm>> -> memref<10240xf32, #tpu.memory_space<hbm>>
      tpu.enqueue_dma source(%arg16 : memref<10240xf32, #tpu.memory_space<vmem>>) target(%dma_start3A_59 : memref<10240xf32, #tpu.memory_space<hbm>>) target_semaphore(%run_scoped3A : memref<!tpu.dma_semaphore, #tpu.memory_space<semaphore_mem>>)
      %dma_wait3A_60 = arith.constant 0 : i32
      %dma_wait3A_61 = tpu.memref_slice %arg7[%add3A, %dma_wait3A_60] : memref<32x10240xf32, #tpu.memory_space<hbm>> -> memref<1x10240xf32, #tpu.memory_space<hbm>>
      %dma_wait3A_62 = tpu.memref_squeeze %dma_wait3A_61 : memref<1x10240xf32, #tpu.memory_space<hbm>> -> memref<10240xf32, #tpu.memory_space<hbm>>
      %dma_wait3A_63 = arith.constant 0 : i32
      %dma_wait3A_64 = tpu.memref_slice %arg7[%add3A, %dma_wait3A_63] : memref<32x10240xf32, #tpu.memory_space<hbm>> -> memref<1x10240xf32, #tpu.memory_space<hbm>>
      %dma_wait3A_65 = tpu.memref_squeeze %dma_wait3A_64 : memref<1x10240xf32, #tpu.memory_space<hbm>> -> memref<10240xf32, #tpu.memory_space<hbm>>
      tpu.wait_dma2 semaphore(%run_scoped3A : memref<!tpu.dma_semaphore, #tpu.memory_space<semaphore_mem>>) src(%arg16 : memref<10240xf32, #tpu.memory_space<vmem>>) dst(%dma_wait3A_65 : memref<10240xf32, #tpu.memory_space<hbm>>)
      tpu.yield
    }) : () -> ()
    return
  }
}

#map = affine_map<(d0, d1) -> (0, 0)>
#map1 = affine_map<(d0, d1) -> (0)>
#map2 = affine_map<(d0, d1) -> (0, 0, 0)>
module attributes {stable_mosaic.version = 14 : i64} {
  func.func @sc_agg(%arg0: i32, %arg1: i32, %arg2: memref<10240x128xf32, #tpu.memory_space<hbm>>, %arg3: memref<655360xi32, #tpu.memory_space<hbm>>, %arg4: memref<128x128xf32, #tpu.memory_space<hbm>>, %arg5: memref<10240xf32, #tpu.memory_space<hbm>>, %arg6: memref<2x10240x128xf32, #tpu.memory_space<hbm>>, %arg7: memref<512xi32, #tpu.memory_space<vmem>>, %arg8: memref<128x128xf32, #tpu.memory_space<vmem>>, %arg9: memref<128x128xf32, #tpu.memory_space<vmem>>, %arg10: memref<10240x128xf32, #tpu.memory_space<vmem_shared>>, %arg11: memref<!tpu.dma_semaphore, #tpu.memory_space<semaphore_mem>>, %arg12: memref<!tpu.dma_semaphore, #tpu.memory_space<semaphore_mem>>, %arg13: memref<!tpu.dma_semaphore, #tpu.memory_space<semaphore_mem>>, %arg14: memref<!tpu.dma_semaphore, #tpu.memory_space<semaphore_mem>>) attributes {dimension_semantics = [#tpu.dimension_semantics<core_parallel>, #tpu.dimension_semantics<subcore_parallel>], iteration_bounds = array<i64: 2, 16>, scalar_prefetch = 0 : i64, scratch_operands = 8 : i64, tpu.core_type = #tpu.core_type<sc_vector_subcore>, window_params = [{transform_indices = #map}, {transform_indices = #map1}, {transform_indices = #map}, {transform_indices = #map1}, {transform_indices = #map2}]} {
    %mul3A = arith.constant 16 : i32
    %mul3A_0 = arith.muli %arg0, %mul3A : i32
    %add3A = arith.addi %mul3A_0, %arg1 : i32
    "tpu.region"() ({
      %run_scoped3A = tpu.sem_alloc : memref<!tpu.dma_semaphore, #tpu.memory_space<semaphore_mem>>
      tpu.enqueue_dma source(%arg4 : memref<128x128xf32, #tpu.memory_space<hbm>>) target(%arg8 : memref<128x128xf32, #tpu.memory_space<vmem>>) target_semaphore(%run_scoped3A : memref<!tpu.dma_semaphore, #tpu.memory_space<semaphore_mem>>)
      tpu.wait_dma2 semaphore(%run_scoped3A : memref<!tpu.dma_semaphore, #tpu.memory_space<semaphore_mem>>) src(%arg4 : memref<128x128xf32, #tpu.memory_space<hbm>>) dst(%arg8 : memref<128x128xf32, #tpu.memory_space<vmem>>)
      tpu.yield
    }) : () -> ()
    %mul3A_1 = arith.constant 640 : i32
    %mul3A_2 = arith.muli %arg1, %mul3A_1 : i32
    %add3A_3 = arith.constant 0 : i32
    %add3A_4 = arith.addi %mul3A_2, %add3A_3 : i32
    "tpu.region"() ({
      %run_scoped3A = tpu.sem_alloc : memref<!tpu.dma_semaphore, #tpu.memory_space<semaphore_mem>>
      %dma_start3A_54 = arith.constant 0 : i32
      %dma_start3A_55 = tpu.memref_slice %arg10[%add3A_4, %dma_start3A_54] : memref<10240x128xf32, #tpu.memory_space<vmem_shared>> -> memref<128x128xf32, #tpu.memory_space<vmem_shared>>
      %dma_start3A_56 = arith.constant 0 : i32
      %dma_start3A_57 = tpu.memref_slice %arg10[%add3A_4, %dma_start3A_56] : memref<10240x128xf32, #tpu.memory_space<vmem_shared>> -> memref<128x128xf32, #tpu.memory_space<vmem_shared>>
      tpu.enqueue_dma source(%arg8 : memref<128x128xf32, #tpu.memory_space<vmem>>) target(%dma_start3A_57 : memref<128x128xf32, #tpu.memory_space<vmem_shared>>) target_semaphore(%run_scoped3A : memref<!tpu.dma_semaphore, #tpu.memory_space<semaphore_mem>>)
      %dma_wait3A_58 = arith.constant 0 : i32
      %dma_wait3A_59 = tpu.memref_slice %arg10[%add3A_4, %dma_wait3A_58] : memref<10240x128xf32, #tpu.memory_space<vmem_shared>> -> memref<128x128xf32, #tpu.memory_space<vmem_shared>>
      %dma_wait3A_60 = arith.constant 0 : i32
      %dma_wait3A_61 = tpu.memref_slice %arg10[%add3A_4, %dma_wait3A_60] : memref<10240x128xf32, #tpu.memory_space<vmem_shared>> -> memref<128x128xf32, #tpu.memory_space<vmem_shared>>
      tpu.wait_dma2 semaphore(%run_scoped3A : memref<!tpu.dma_semaphore, #tpu.memory_space<semaphore_mem>>) src(%arg8 : memref<128x128xf32, #tpu.memory_space<vmem>>) dst(%dma_wait3A_61 : memref<128x128xf32, #tpu.memory_space<vmem_shared>>)
      tpu.yield
    }) : () -> ()
    %mul3A_5 = arith.constant 640 : i32
    %mul3A_6 = arith.muli %arg1, %mul3A_5 : i32
    %add3A_7 = arith.constant 128 : i32
    %add3A_8 = arith.addi %mul3A_6, %add3A_7 : i32
    "tpu.region"() ({
      %run_scoped3A = tpu.sem_alloc : memref<!tpu.dma_semaphore, #tpu.memory_space<semaphore_mem>>
      %dma_start3A_54 = arith.constant 0 : i32
      %dma_start3A_55 = tpu.memref_slice %arg10[%add3A_8, %dma_start3A_54] : memref<10240x128xf32, #tpu.memory_space<vmem_shared>> -> memref<128x128xf32, #tpu.memory_space<vmem_shared>>
      %dma_start3A_56 = arith.constant 0 : i32
      %dma_start3A_57 = tpu.memref_slice %arg10[%add3A_8, %dma_start3A_56] : memref<10240x128xf32, #tpu.memory_space<vmem_shared>> -> memref<128x128xf32, #tpu.memory_space<vmem_shared>>
      tpu.enqueue_dma source(%arg8 : memref<128x128xf32, #tpu.memory_space<vmem>>) target(%dma_start3A_57 : memref<128x128xf32, #tpu.memory_space<vmem_shared>>) target_semaphore(%run_scoped3A : memref<!tpu.dma_semaphore, #tpu.memory_space<semaphore_mem>>)
      %dma_wait3A_58 = arith.constant 0 : i32
      %dma_wait3A_59 = tpu.memref_slice %arg10[%add3A_8, %dma_wait3A_58] : memref<10240x128xf32, #tpu.memory_space<vmem_shared>> -> memref<128x128xf32, #tpu.memory_space<vmem_shared>>
      %dma_wait3A_60 = arith.constant 0 : i32
      %dma_wait3A_61 = tpu.memref_slice %arg10[%add3A_8, %dma_wait3A_60] : memref<10240x128xf32, #tpu.memory_space<vmem_shared>> -> memref<128x128xf32, #tpu.memory_space<vmem_shared>>
      tpu.wait_dma2 semaphore(%run_scoped3A : memref<!tpu.dma_semaphore, #tpu.memory_space<semaphore_mem>>) src(%arg8 : memref<128x128xf32, #tpu.memory_space<vmem>>) dst(%dma_wait3A_61 : memref<128x128xf32, #tpu.memory_space<vmem_shared>>)
      tpu.yield
    }) : () -> ()
    %mul3A_9 = arith.constant 640 : i32
    %mul3A_10 = arith.muli %arg1, %mul3A_9 : i32
    %add3A_11 = arith.constant 256 : i32
    %add3A_12 = arith.addi %mul3A_10, %add3A_11 : i32
    "tpu.region"() ({
      %run_scoped3A = tpu.sem_alloc : memref<!tpu.dma_semaphore, #tpu.memory_space<semaphore_mem>>
      %dma_start3A_54 = arith.constant 0 : i32
      %dma_start3A_55 = tpu.memref_slice %arg10[%add3A_12, %dma_start3A_54] : memref<10240x128xf32, #tpu.memory_space<vmem_shared>> -> memref<128x128xf32, #tpu.memory_space<vmem_shared>>
      %dma_start3A_56 = arith.constant 0 : i32
      %dma_start3A_57 = tpu.memref_slice %arg10[%add3A_12, %dma_start3A_56] : memref<10240x128xf32, #tpu.memory_space<vmem_shared>> -> memref<128x128xf32, #tpu.memory_space<vmem_shared>>
      tpu.enqueue_dma source(%arg8 : memref<128x128xf32, #tpu.memory_space<vmem>>) target(%dma_start3A_57 : memref<128x128xf32, #tpu.memory_space<vmem_shared>>) target_semaphore(%run_scoped3A : memref<!tpu.dma_semaphore, #tpu.memory_space<semaphore_mem>>)
      %dma_wait3A_58 = arith.constant 0 : i32
      %dma_wait3A_59 = tpu.memref_slice %arg10[%add3A_12, %dma_wait3A_58] : memref<10240x128xf32, #tpu.memory_space<vmem_shared>> -> memref<128x128xf32, #tpu.memory_space<vmem_shared>>
      %dma_wait3A_60 = arith.constant 0 : i32
      %dma_wait3A_61 = tpu.memref_slice %arg10[%add3A_12, %dma_wait3A_60] : memref<10240x128xf32, #tpu.memory_space<vmem_shared>> -> memref<128x128xf32, #tpu.memory_space<vmem_shared>>
      tpu.wait_dma2 semaphore(%run_scoped3A : memref<!tpu.dma_semaphore, #tpu.memory_space<semaphore_mem>>) src(%arg8 : memref<128x128xf32, #tpu.memory_space<vmem>>) dst(%dma_wait3A_61 : memref<128x128xf32, #tpu.memory_space<vmem_shared>>)
      tpu.yield
    }) : () -> ()
    %mul3A_13 = arith.constant 640 : i32
    %mul3A_14 = arith.muli %arg1, %mul3A_13 : i32
    %add3A_15 = arith.constant 384 : i32
    %add3A_16 = arith.addi %mul3A_14, %add3A_15 : i32
    "tpu.region"() ({
      %run_scoped3A = tpu.sem_alloc : memref<!tpu.dma_semaphore, #tpu.memory_space<semaphore_mem>>
      %dma_start3A_54 = arith.constant 0 : i32
      %dma_start3A_55 = tpu.memref_slice %arg10[%add3A_16, %dma_start3A_54] : memref<10240x128xf32, #tpu.memory_space<vmem_shared>> -> memref<128x128xf32, #tpu.memory_space<vmem_shared>>
      %dma_start3A_56 = arith.constant 0 : i32
      %dma_start3A_57 = tpu.memref_slice %arg10[%add3A_16, %dma_start3A_56] : memref<10240x128xf32, #tpu.memory_space<vmem_shared>> -> memref<128x128xf32, #tpu.memory_space<vmem_shared>>
      tpu.enqueue_dma source(%arg8 : memref<128x128xf32, #tpu.memory_space<vmem>>) target(%dma_start3A_57 : memref<128x128xf32, #tpu.memory_space<vmem_shared>>) target_semaphore(%run_scoped3A : memref<!tpu.dma_semaphore, #tpu.memory_space<semaphore_mem>>)
      %dma_wait3A_58 = arith.constant 0 : i32
      %dma_wait3A_59 = tpu.memref_slice %arg10[%add3A_16, %dma_wait3A_58] : memref<10240x128xf32, #tpu.memory_space<vmem_shared>> -> memref<128x128xf32, #tpu.memory_space<vmem_shared>>
      %dma_wait3A_60 = arith.constant 0 : i32
      %dma_wait3A_61 = tpu.memref_slice %arg10[%add3A_16, %dma_wait3A_60] : memref<10240x128xf32, #tpu.memory_space<vmem_shared>> -> memref<128x128xf32, #tpu.memory_space<vmem_shared>>
      tpu.wait_dma2 semaphore(%run_scoped3A : memref<!tpu.dma_semaphore, #tpu.memory_space<semaphore_mem>>) src(%arg8 : memref<128x128xf32, #tpu.memory_space<vmem>>) dst(%dma_wait3A_61 : memref<128x128xf32, #tpu.memory_space<vmem_shared>>)
      tpu.yield
    }) : () -> ()
    %mul3A_17 = arith.constant 640 : i32
    %mul3A_18 = arith.muli %arg1, %mul3A_17 : i32
    %add3A_19 = arith.constant 512 : i32
    %add3A_20 = arith.addi %mul3A_18, %add3A_19 : i32
    "tpu.region"() ({
      %run_scoped3A = tpu.sem_alloc : memref<!tpu.dma_semaphore, #tpu.memory_space<semaphore_mem>>
      %dma_start3A_54 = arith.constant 0 : i32
      %dma_start3A_55 = tpu.memref_slice %arg10[%add3A_20, %dma_start3A_54] : memref<10240x128xf32, #tpu.memory_space<vmem_shared>> -> memref<128x128xf32, #tpu.memory_space<vmem_shared>>
      %dma_start3A_56 = arith.constant 0 : i32
      %dma_start3A_57 = tpu.memref_slice %arg10[%add3A_20, %dma_start3A_56] : memref<10240x128xf32, #tpu.memory_space<vmem_shared>> -> memref<128x128xf32, #tpu.memory_space<vmem_shared>>
      tpu.enqueue_dma source(%arg8 : memref<128x128xf32, #tpu.memory_space<vmem>>) target(%dma_start3A_57 : memref<128x128xf32, #tpu.memory_space<vmem_shared>>) target_semaphore(%run_scoped3A : memref<!tpu.dma_semaphore, #tpu.memory_space<semaphore_mem>>)
      %dma_wait3A_58 = arith.constant 0 : i32
      %dma_wait3A_59 = tpu.memref_slice %arg10[%add3A_20, %dma_wait3A_58] : memref<10240x128xf32, #tpu.memory_space<vmem_shared>> -> memref<128x128xf32, #tpu.memory_space<vmem_shared>>
      %dma_wait3A_60 = arith.constant 0 : i32
      %dma_wait3A_61 = tpu.memref_slice %arg10[%add3A_20, %dma_wait3A_60] : memref<10240x128xf32, #tpu.memory_space<vmem_shared>> -> memref<128x128xf32, #tpu.memory_space<vmem_shared>>
      tpu.wait_dma2 semaphore(%run_scoped3A : memref<!tpu.dma_semaphore, #tpu.memory_space<semaphore_mem>>) src(%arg8 : memref<128x128xf32, #tpu.memory_space<vmem>>) dst(%dma_wait3A_61 : memref<128x128xf32, #tpu.memory_space<vmem_shared>>)
      tpu.yield
    }) : () -> ()
    %barrier3A = arith.constant 0 : index
    tpu.barrier barrier_id(%barrier3A)
    %mul3A_21 = arith.constant 40 : i32
    %mul3A_22 = arith.muli %add3A, %mul3A_21 : i32
    %mul3A_23 = arith.constant 512 : i32
    %mul3A_24 = arith.muli %mul3A_22, %mul3A_23 : i32
    %broadcast_in_dim3A = arith.constant 1.000000e+00 : f32
    %broadcast_in_dim3A_25 = vector.broadcast %broadcast_in_dim3A : f32 to vector<16xf32>
    "tpu.region"() ({
      %run_scoped3A = tpu.sem_alloc : memref<!tpu.dma_semaphore, #tpu.memory_space<semaphore_mem>>
      %dma_start3A_54 = arith.constant 0 : i32
      %dma_start3A_55 = tpu.memref_slice %arg7[%dma_start3A_54] : memref<512xi32, #tpu.memory_space<vmem>> -> memref<128xi32, #tpu.memory_space<vmem>>
      %dma_start3A_56 = tpu.memref_slice %arg3[%mul3A_24] : memref<655360xi32, #tpu.memory_space<hbm>> -> memref<128xi32, #tpu.memory_space<hbm>>
      %dma_start3A_57 = arith.constant 0 : i32
      %dma_start3A_58 = tpu.memref_slice %arg7[%dma_start3A_57] : memref<512xi32, #tpu.memory_space<vmem>> -> memref<128xi32, #tpu.memory_space<vmem>>
      %dma_start3A_59 = tpu.memref_slice %arg3[%mul3A_24] : memref<655360xi32, #tpu.memory_space<hbm>> -> memref<128xi32, #tpu.memory_space<hbm>>
      tpu.enqueue_dma source(%dma_start3A_59 : memref<128xi32, #tpu.memory_space<hbm>>) target(%dma_start3A_58 : memref<128xi32, #tpu.memory_space<vmem>>) target_semaphore(%run_scoped3A : memref<!tpu.dma_semaphore, #tpu.memory_space<semaphore_mem>>)
      %dma_wait3A_60 = arith.constant 0 : i32
      %dma_wait3A_61 = tpu.memref_slice %arg7[%dma_wait3A_60] : memref<512xi32, #tpu.memory_space<vmem>> -> memref<128xi32, #tpu.memory_space<vmem>>
      %dma_wait3A_62 = tpu.memref_slice %arg3[%mul3A_24] : memref<655360xi32, #tpu.memory_space<hbm>> -> memref<128xi32, #tpu.memory_space<hbm>>
      %dma_wait3A_63 = arith.constant 0 : i32
      %dma_wait3A_64 = tpu.memref_slice %arg7[%dma_wait3A_63] : memref<512xi32, #tpu.memory_space<vmem>> -> memref<128xi32, #tpu.memory_space<vmem>>
      %dma_wait3A_65 = tpu.memref_slice %arg3[%mul3A_24] : memref<655360xi32, #tpu.memory_space<hbm>> -> memref<128xi32, #tpu.memory_space<hbm>>
      tpu.wait_dma2 semaphore(%run_scoped3A : memref<!tpu.dma_semaphore, #tpu.memory_space<semaphore_mem>>) src(%dma_wait3A_65 : memref<128xi32, #tpu.memory_space<hbm>>) dst(%dma_wait3A_64 : memref<128xi32, #tpu.memory_space<vmem>>)
      tpu.yield
    }) : () -> ()
    %dma_start3A = arith.constant 0 : i32
    %dma_start3A_26 = tpu.memref_slice %arg7[%dma_start3A] : memref<512xi32, #tpu.memory_space<vmem>> -> memref<128xi32, #tpu.memory_space<vmem>>
    %dma_start3A_27 = arith.constant 0 : i32
    %dma_start3A_28 = arith.constant 0 : i32
    %dma_start3A_29 = tpu.memref_slice %arg10[%dma_start3A_27, %dma_start3A_28] : memref<10240x128xf32, #tpu.memory_space<vmem_shared>> -> memref<10240x128xf32, #tpu.memory_space<vmem_shared>>
    tpu.enqueue_indirect_dma source(%arg8 : memref<128x128xf32, #tpu.memory_space<vmem>>) target(%dma_start3A_29 : memref<10240x128xf32, #tpu.memory_space<vmem_shared>>) offsets(%dma_start3A_26 : memref<128xi32, #tpu.memory_space<vmem>>) semaphore(%arg13 : memref<!tpu.dma_semaphore, #tpu.memory_space<semaphore_mem>>) {add = true}
    %dma_start3A_30 = arith.constant 0 : i32
    %dma_start3A_31 = tpu.memref_slice %arg7[%dma_start3A_30] : memref<512xi32, #tpu.memory_space<vmem>> -> memref<128xi32, #tpu.memory_space<vmem>>
    %dma_start3A_32 = arith.constant 0 : i32
    %dma_start3A_33 = arith.constant 0 : i32
    %dma_start3A_34 = tpu.memref_slice %arg10[%dma_start3A_32, %dma_start3A_33] : memref<10240x128xf32, #tpu.memory_space<vmem_shared>> -> memref<10240x128xf32, #tpu.memory_space<vmem_shared>>
    tpu.enqueue_indirect_dma source(%arg8 : memref<128x128xf32, #tpu.memory_space<vmem>>) target(%dma_start3A_34 : memref<10240x128xf32, #tpu.memory_space<vmem_shared>>) offsets(%dma_start3A_31 : memref<128xi32, #tpu.memory_space<vmem>>) semaphore(%arg14 : memref<!tpu.dma_semaphore, #tpu.memory_space<semaphore_mem>>) {add = true}
    %scan3A = arith.constant 0 : i32
    %scan3A_35 = arith.constant 0 : i32
    %scan3A_36 = arith.constant 40 : i32
    %scan3A_37 = arith.addi %scan3A_35, %scan3A_36 : i32
    %scan3A_38 = arith.constant 1 : i32
    scf.for %scan3A_54 = %scan3A_35 to %scan3A_37 step %scan3A_38  : i32 {
      %dma_wait3A_55 = arith.constant 0 : i32
      %dma_wait3A_56 = tpu.memref_slice %arg7[%dma_wait3A_55] : memref<512xi32, #tpu.memory_space<vmem>> -> memref<128xi32, #tpu.memory_space<vmem>>
      %dma_wait3A_57 = arith.constant 0 : i32
      %dma_wait3A_58 = arith.constant 0 : i32
      %dma_wait3A_59 = tpu.memref_slice %arg10[%dma_wait3A_57, %dma_wait3A_58] : memref<10240x128xf32, #tpu.memory_space<vmem_shared>> -> memref<10240x128xf32, #tpu.memory_space<vmem_shared>>
      tpu.wait_indirect_dma semaphore(%arg13 : memref<!tpu.dma_semaphore, #tpu.memory_space<semaphore_mem>>) src(%arg8 : memref<128x128xf32, #tpu.memory_space<vmem>>) dst(%dma_wait3A_59 : memref<10240x128xf32, #tpu.memory_space<vmem_shared>>)
      %dma_wait3A_60 = arith.constant 0 : i32
      %dma_wait3A_61 = tpu.memref_slice %arg7[%dma_wait3A_60] : memref<512xi32, #tpu.memory_space<vmem>> -> memref<128xi32, #tpu.memory_space<vmem>>
      %dma_wait3A_62 = arith.constant 0 : i32
      %dma_wait3A_63 = arith.constant 0 : i32
      %dma_wait3A_64 = tpu.memref_slice %arg10[%dma_wait3A_62, %dma_wait3A_63] : memref<10240x128xf32, #tpu.memory_space<vmem_shared>> -> memref<10240x128xf32, #tpu.memory_space<vmem_shared>>
      tpu.wait_indirect_dma semaphore(%arg14 : memref<!tpu.dma_semaphore, #tpu.memory_space<semaphore_mem>>) src(%arg8 : memref<128x128xf32, #tpu.memory_space<vmem>>) dst(%dma_wait3A_64 : memref<10240x128xf32, #tpu.memory_space<vmem_shared>>)
      %mul3A_65 = arith.constant 512 : i32
      %mul3A_66 = arith.muli %scan3A_54, %mul3A_65 : i32
      %add3A_67 = arith.addi %mul3A_24, %mul3A_66 : i32
      "tpu.region"() ({
        %run_scoped3A = tpu.sem_alloc : memref<!tpu.dma_semaphore, #tpu.memory_space<semaphore_mem>>
        %dma_start3A_98 = tpu.memref_slice %arg3[%add3A_67] : memref<655360xi32, #tpu.memory_space<hbm>> -> memref<512xi32, #tpu.memory_space<hbm>>
        %dma_start3A_99 = tpu.memref_slice %arg3[%add3A_67] : memref<655360xi32, #tpu.memory_space<hbm>> -> memref<512xi32, #tpu.memory_space<hbm>>
        tpu.enqueue_dma source(%dma_start3A_99 : memref<512xi32, #tpu.memory_space<hbm>>) target(%arg7 : memref<512xi32, #tpu.memory_space<vmem>>) target_semaphore(%run_scoped3A : memref<!tpu.dma_semaphore, #tpu.memory_space<semaphore_mem>>)
        %dma_wait3A_100 = tpu.memref_slice %arg3[%add3A_67] : memref<655360xi32, #tpu.memory_space<hbm>> -> memref<512xi32, #tpu.memory_space<hbm>>
        %dma_wait3A_101 = tpu.memref_slice %arg3[%add3A_67] : memref<655360xi32, #tpu.memory_space<hbm>> -> memref<512xi32, #tpu.memory_space<hbm>>
        tpu.wait_dma2 semaphore(%run_scoped3A : memref<!tpu.dma_semaphore, #tpu.memory_space<semaphore_mem>>) src(%dma_wait3A_101 : memref<512xi32, #tpu.memory_space<hbm>>) dst(%arg7 : memref<512xi32, #tpu.memory_space<vmem>>)
        tpu.yield
      }) : () -> ()
      %dma_start3A_68 = arith.constant 0 : i32
      %dma_start3A_69 = tpu.memref_slice %arg7[%dma_start3A_68] : memref<512xi32, #tpu.memory_space<vmem>> -> memref<128xi32, #tpu.memory_space<vmem>>
      %dma_start3A_70 = arith.constant 0 : i32
      %dma_start3A_71 = arith.constant 0 : i32
      %dma_start3A_72 = tpu.memref_slice %arg2[%dma_start3A_70, %dma_start3A_71] : memref<10240x128xf32, #tpu.memory_space<hbm>> -> memref<10240x128xf32, #tpu.memory_space<hbm>>
      tpu.enqueue_indirect_dma source(%dma_start3A_72 : memref<10240x128xf32, #tpu.memory_space<hbm>>) target(%arg8 : memref<128x128xf32, #tpu.memory_space<vmem>>) offsets(%dma_start3A_69 : memref<128xi32, #tpu.memory_space<vmem>>) semaphore(%arg11 : memref<!tpu.dma_semaphore, #tpu.memory_space<semaphore_mem>>)
      %dma_start3A_73 = arith.constant 128 : i32
      %dma_start3A_74 = tpu.memref_slice %arg7[%dma_start3A_73] : memref<512xi32, #tpu.memory_space<vmem>> -> memref<128xi32, #tpu.memory_space<vmem>>
      %dma_start3A_75 = arith.constant 0 : i32
      %dma_start3A_76 = arith.constant 0 : i32
      %dma_start3A_77 = tpu.memref_slice %arg2[%dma_start3A_75, %dma_start3A_76] : memref<10240x128xf32, #tpu.memory_space<hbm>> -> memref<10240x128xf32, #tpu.memory_space<hbm>>
      tpu.enqueue_indirect_dma source(%dma_start3A_77 : memref<10240x128xf32, #tpu.memory_space<hbm>>) target(%arg9 : memref<128x128xf32, #tpu.memory_space<vmem>>) offsets(%dma_start3A_74 : memref<128xi32, #tpu.memory_space<vmem>>) semaphore(%arg12 : memref<!tpu.dma_semaphore, #tpu.memory_space<semaphore_mem>>)
      %dma_wait3A_78 = arith.constant 0 : i32
      %dma_wait3A_79 = tpu.memref_slice %arg7[%dma_wait3A_78] : memref<512xi32, #tpu.memory_space<vmem>> -> memref<128xi32, #tpu.memory_space<vmem>>
      %dma_wait3A_80 = arith.constant 0 : i32
      %dma_wait3A_81 = arith.constant 0 : i32
      %dma_wait3A_82 = tpu.memref_slice %arg2[%dma_wait3A_80, %dma_wait3A_81] : memref<10240x128xf32, #tpu.memory_space<hbm>> -> memref<10240x128xf32, #tpu.memory_space<hbm>>
      tpu.wait_indirect_dma semaphore(%arg11 : memref<!tpu.dma_semaphore, #tpu.memory_space<semaphore_mem>>) src(%dma_wait3A_82 : memref<10240x128xf32, #tpu.memory_space<hbm>>) dst(%arg8 : memref<128x128xf32, #tpu.memory_space<vmem>>)
      %dma_start3A_83 = arith.constant 256 : i32
      %dma_start3A_84 = tpu.memref_slice %arg7[%dma_start3A_83] : memref<512xi32, #tpu.memory_space<vmem>> -> memref<128xi32, #tpu.memory_space<vmem>>
      %dma_start3A_85 = arith.constant 0 : i32
      %dma_start3A_86 = arith.constant 0 : i32
      %dma_start3A_87 = tpu.memref_slice %arg10[%dma_start3A_85, %dma_start3A_86] : memref<10240x128xf32, #tpu.memory_space<vmem_shared>> -> memref<10240x128xf32, #tpu.memory_space<vmem_shared>>
      tpu.enqueue_indirect_dma source(%arg8 : memref<128x128xf32, #tpu.memory_space<vmem>>) target(%dma_start3A_87 : memref<10240x128xf32, #tpu.memory_space<vmem_shared>>) offsets(%dma_start3A_84 : memref<128xi32, #tpu.memory_space<vmem>>) semaphore(%arg13 : memref<!tpu.dma_semaphore, #tpu.memory_space<semaphore_mem>>) {add = true}
      %dma_wait3A_88 = arith.constant 128 : i32
      %dma_wait3A_89 = tpu.memref_slice %arg7[%dma_wait3A_88] : memref<512xi32, #tpu.memory_space<vmem>> -> memref<128xi32, #tpu.memory_space<vmem>>
      %dma_wait3A_90 = arith.constant 0 : i32
      %dma_wait3A_91 = arith.constant 0 : i32
      %dma_wait3A_92 = tpu.memref_slice %arg2[%dma_wait3A_90, %dma_wait3A_91] : memref<10240x128xf32, #tpu.memory_space<hbm>> -> memref<10240x128xf32, #tpu.memory_space<hbm>>
      tpu.wait_indirect_dma semaphore(%arg12 : memref<!tpu.dma_semaphore, #tpu.memory_space<semaphore_mem>>) src(%dma_wait3A_92 : memref<10240x128xf32, #tpu.memory_space<hbm>>) dst(%arg9 : memref<128x128xf32, #tpu.memory_space<vmem>>)
      %dma_start3A_93 = arith.constant 384 : i32
      %dma_start3A_94 = tpu.memref_slice %arg7[%dma_start3A_93] : memref<512xi32, #tpu.memory_space<vmem>> -> memref<128xi32, #tpu.memory_space<vmem>>
      %dma_start3A_95 = arith.constant 0 : i32
      %dma_start3A_96 = arith.constant 0 : i32
      %dma_start3A_97 = tpu.memref_slice %arg10[%dma_start3A_95, %dma_start3A_96] : memref<10240x128xf32, #tpu.memory_space<vmem_shared>> -> memref<10240x128xf32, #tpu.memory_space<vmem_shared>>
      tpu.enqueue_indirect_dma source(%arg9 : memref<128x128xf32, #tpu.memory_space<vmem>>) target(%dma_start3A_97 : memref<10240x128xf32, #tpu.memory_space<vmem_shared>>) offsets(%dma_start3A_94 : memref<128xi32, #tpu.memory_space<vmem>>) semaphore(%arg14 : memref<!tpu.dma_semaphore, #tpu.memory_space<semaphore_mem>>) {add = true}
    }
    %scan3A_39 = arith.constant 40 : i32
    %dma_wait3A = arith.constant 0 : i32
    %dma_wait3A_40 = tpu.memref_slice %arg7[%dma_wait3A] : memref<512xi32, #tpu.memory_space<vmem>> -> memref<128xi32, #tpu.memory_space<vmem>>
    %dma_wait3A_41 = arith.constant 0 : i32
    %dma_wait3A_42 = arith.constant 0 : i32
    %dma_wait3A_43 = tpu.memref_slice %arg10[%dma_wait3A_41, %dma_wait3A_42] : memref<10240x128xf32, #tpu.memory_space<vmem_shared>> -> memref<10240x128xf32, #tpu.memory_space<vmem_shared>>
    tpu.wait_indirect_dma semaphore(%arg13 : memref<!tpu.dma_semaphore, #tpu.memory_space<semaphore_mem>>) src(%arg8 : memref<128x128xf32, #tpu.memory_space<vmem>>) dst(%dma_wait3A_43 : memref<10240x128xf32, #tpu.memory_space<vmem_shared>>)
    %dma_wait3A_44 = arith.constant 0 : i32
    %dma_wait3A_45 = tpu.memref_slice %arg7[%dma_wait3A_44] : memref<512xi32, #tpu.memory_space<vmem>> -> memref<128xi32, #tpu.memory_space<vmem>>
    %dma_wait3A_46 = arith.constant 0 : i32
    %dma_wait3A_47 = arith.constant 0 : i32
    %dma_wait3A_48 = tpu.memref_slice %arg10[%dma_wait3A_46, %dma_wait3A_47] : memref<10240x128xf32, #tpu.memory_space<vmem_shared>> -> memref<10240x128xf32, #tpu.memory_space<vmem_shared>>
    tpu.wait_indirect_dma semaphore(%arg14 : memref<!tpu.dma_semaphore, #tpu.memory_space<semaphore_mem>>) src(%arg8 : memref<128x128xf32, #tpu.memory_space<vmem>>) dst(%dma_wait3A_48 : memref<10240x128xf32, #tpu.memory_space<vmem_shared>>)
    %barrier3A_49 = arith.constant 0 : index
    tpu.barrier barrier_id(%barrier3A_49)
    %mul3A_50 = arith.constant 640 : i32
    %mul3A_51 = arith.muli %arg1, %mul3A_50 : i32
    %mul3A_52 = arith.constant 640 : i32
    %mul3A_53 = arith.muli %arg1, %mul3A_52 : i32
    "tpu.region"() ({
      %run_scoped3A = tpu.sem_alloc : memref<!tpu.dma_semaphore, #tpu.memory_space<semaphore_mem>>
      %dma_start3A_54 = arith.constant 0 : i32
      %dma_start3A_55 = tpu.memref_slice %arg6[%arg0, %mul3A_53, %dma_start3A_54] : memref<2x10240x128xf32, #tpu.memory_space<hbm>> -> memref<1x640x128xf32, #tpu.memory_space<hbm>>
      %dma_start3A_56 = tpu.memref_squeeze %dma_start3A_55 : memref<1x640x128xf32, #tpu.memory_space<hbm>> -> memref<640x128xf32, #tpu.memory_space<hbm>>
      %dma_start3A_57 = arith.constant 0 : i32
      %dma_start3A_58 = tpu.memref_slice %arg10[%mul3A_51, %dma_start3A_57] : memref<10240x128xf32, #tpu.memory_space<vmem_shared>> -> memref<640x128xf32, #tpu.memory_space<vmem_shared>>
      tpu.enqueue_dma source(%dma_start3A_58 : memref<640x128xf32, #tpu.memory_space<vmem_shared>>) target(%dma_start3A_56 : memref<640x128xf32, #tpu.memory_space<hbm>>) target_semaphore(%run_scoped3A : memref<!tpu.dma_semaphore, #tpu.memory_space<semaphore_mem>>)
      %dma_wait3A_59 = arith.constant 0 : i32
      %dma_wait3A_60 = tpu.memref_slice %arg6[%arg0, %mul3A_53, %dma_wait3A_59] : memref<2x10240x128xf32, #tpu.memory_space<hbm>> -> memref<1x640x128xf32, #tpu.memory_space<hbm>>
      %dma_wait3A_61 = tpu.memref_squeeze %dma_wait3A_60 : memref<1x640x128xf32, #tpu.memory_space<hbm>> -> memref<640x128xf32, #tpu.memory_space<hbm>>
      %dma_wait3A_62 = arith.constant 0 : i32
      %dma_wait3A_63 = tpu.memref_slice %arg10[%mul3A_51, %dma_wait3A_62] : memref<10240x128xf32, #tpu.memory_space<vmem_shared>> -> memref<640x128xf32, #tpu.memory_space<vmem_shared>>
      tpu.wait_dma2 semaphore(%run_scoped3A : memref<!tpu.dma_semaphore, #tpu.memory_space<semaphore_mem>>) src(%dma_wait3A_63 : memref<640x128xf32, #tpu.memory_space<vmem_shared>>) dst(%dma_wait3A_61 : memref<640x128xf32, #tpu.memory_space<hbm>>)
      tpu.yield
    }) : () -> ()
    return
  }
}

module attributes {stable_mosaic.version = 14 : i64} {
  func.func @_embed_body(%arg0: i32, %arg1: memref<1024x8xf32, #tpu.memory_space<vmem>>, %arg2: memref<8x128xf32, #tpu.memory_space<vmem>>, %arg3: memref<1x128xf32, #tpu.memory_space<vmem>>, %arg4: memref<1024x128xf32, #tpu.memory_space<vmem>>) attributes {dimension_semantics = [#tpu.dimension_semantics<arbitrary>], iteration_bounds = array<i64: 10>, scalar_prefetch = 0 : i64, scratch_operands = 0 : i64, tpu.core_type = #tpu.core_type<tc>, window_params = [{transform_indices = @transform_0, window_bounds = array<i64: 1024, 8>}, {pipeline_mode = #tpu.pipeline_mode<synchronous>, transform_indices = @transform_1, window_bounds = array<i64: 8, 128>}, {pipeline_mode = #tpu.pipeline_mode<synchronous>, transform_indices = @transform_2, window_bounds = array<i64: 1, 128>}, {transform_indices = @transform_3, window_bounds = array<i64: 1024, 128>}]} {
    %get3A = arith.constant 0 : index
    %get3A_0 = arith.constant 0 : index
    %get3A_1 = vector.load %arg1[%get3A, %get3A_0] : memref<1024x8xf32, #tpu.memory_space<vmem>>, vector<1024x8xf32>
    %get3A_2 = arith.constant 0 : index
    %get3A_3 = arith.constant 0 : index
    %get3A_4 = vector.load %arg2[%get3A_2, %get3A_3] : memref<8x128xf32, #tpu.memory_space<vmem>>, vector<8x128xf32>
    %dot_general3A = arith.constant dense<0.000000e+00> : vector<1024x128xf32>
    %dot_general3A_5 = tpu.matmul %get3A_1, %get3A_4, %dot_general3A {dimension_numbers = #tpu.dot_dimension_numbers<[1], [0], [0], [1], [0, 0, 1, 1], [], []>, transpose_lhs_hint = false} : vector<1024x8xf32>, vector<8x128xf32>, vector<1024x128xf32> -> vector<1024x128xf32>
    %get3A_6 = arith.constant 0 : index
    %get3A_7 = arith.constant 0 : index
    %get3A_8 = vector.load %arg3[%get3A_6, %get3A_7] : memref<1x128xf32, #tpu.memory_space<vmem>>, vector<1x128xf32>
    %add3A = vector.broadcast %get3A_8 : vector<1x128xf32> to vector<1024x128xf32>
    %add3A_9 = arith.addf %dot_general3A_5, %add3A : vector<1024x128xf32>
    %swap3A = arith.constant 0 : index
    %swap3A_10 = arith.constant 0 : index
    %swap3A_11 = vector.load %arg4[%swap3A, %swap3A_10] : memref<1024x128xf32, #tpu.memory_space<vmem>>, vector<1024x128xf32>
    tpu.vector_store %arg4[%swap3A, %swap3A_10], %add3A_9 {strides = array<i32>} : memref<1024x128xf32, #tpu.memory_space<vmem>>, vector<1024x128xf32>,
    return
  }
  func.func @transform_0(%arg0: i32) -> (i32, i32) {
    %c0_i32 = arith.constant 0 : i32
    %c0_i32_0 = arith.constant 0 : i32
    return %arg0, %c0_i32 : i32, i32
  }
  func.func @transform_1(%arg0: i32) -> (i32, i32) {
    %c0_i32 = arith.constant 0 : i32
    %c0_i32_0 = arith.constant 0 : i32
    %c0_i32_1 = arith.constant 0 : i32
    return %c0_i32, %c0_i32_0 : i32, i32
  }
  func.func @transform_2(%arg0: i32) -> (i32, i32) {
    %c0_i32 = arith.constant 0 : i32
    %c0_i32_0 = arith.constant 0 : i32
    %c0_i32_1 = arith.constant 0 : i32
    return %c0_i32, %c0_i32_0 : i32, i32
  }
  func.func @transform_3(%arg0: i32) -> (i32, i32) {
    %c0_i32 = arith.constant 0 : i32
    %c0_i32_0 = arith.constant 0 : i32
    return %arg0, %c0_i32 : i32, i32
  }
}

module attributes {stable_mosaic.version = 14 : i64} {
  func.func @_combine0_body(%arg0: i32, %arg1: memref<1x1024x128xf32, #tpu.memory_space<vmem>>, %arg2: memref<1x1024x128xf32, #tpu.memory_space<vmem>>, %arg3: memref<32x8x128xf32, #tpu.memory_space<vmem>>, %arg4: memref<1024x128xf32, #tpu.memory_space<vmem>>, %arg5: memref<128x128xf32, #tpu.memory_space<vmem>>, %arg6: memref<1x128xf32, #tpu.memory_space<vmem>>, %arg7: memref<128x128xf32, #tpu.memory_space<vmem>>, %arg8: memref<1024x128xf32, #tpu.memory_space<vmem>>, %arg9: memref<1024x128xf32, #tpu.memory_space<vmem>>) attributes {dimension_semantics = [#tpu.dimension_semantics<arbitrary>], iteration_bounds = array<i64: 10>, scalar_prefetch = 0 : i64, scratch_operands = 0 : i64, tpu.core_type = #tpu.core_type<tc>, window_params = [{transform_indices = @transform_0, window_bounds = array<i64: 1, 1024, 128>}, {transform_indices = @transform_1, window_bounds = array<i64: 1, 1024, 128>}, {transform_indices = @transform_2, window_bounds = array<i64: 32, 8, 128>}, {transform_indices = @transform_3, window_bounds = array<i64: 1024, 128>}, {pipeline_mode = #tpu.pipeline_mode<synchronous>, transform_indices = @transform_4, window_bounds = array<i64: 128, 128>}, {pipeline_mode = #tpu.pipeline_mode<synchronous>, transform_indices = @transform_5, window_bounds = array<i64: 1, 128>}, {pipeline_mode = #tpu.pipeline_mode<synchronous>, transform_indices = @transform_6, window_bounds = array<i64: 128, 128>}, {transform_indices = @transform_7, window_bounds = array<i64: 1024, 128>}, {transform_indices = @transform_8, window_bounds = array<i64: 1024, 128>}]} {
    %get3A = arith.constant 0 : index
    %get3A_0 = arith.constant 0 : index
    %get3A_1 = arith.constant 0 : index
    %get3A_2 = vector.load %arg3[%get3A, %get3A_0, %get3A_1] : memref<32x8x128xf32, #tpu.memory_space<vmem>>, vector<32x8x128xf32>
    %reduce_sum3A = arith.constant dense<0.000000e+00> : vector<8x128xf32>
    %reduce_sum3A_3 = vector.multi_reduction <add>, %get3A_2, %reduce_sum3A [0] : vector<32x8x128xf32> to vector<8x128xf32>
    %iota3A = tpu.iota {dimensions = array<i32: 0>} : vector<1024x8xi32>
    %shift_right_logical3A = arith.constant 7 : i32
    %shift_right_logical3A_4 = vector.broadcast %shift_right_logical3A : i32 to vector<1024x8xi32>
    %shift_right_logical3A_5 = arith.shrui %iota3A, %shift_right_logical3A_4 : vector<1024x8xi32>
    %iota3A_6 = tpu.iota {dimensions = array<i32: 1>} : vector<1024x8xi32>
    %eq3A = arith.cmpi eq, %shift_right_logical3A_5, %iota3A_6 : vector<1024x8xi32>
    %convert_element_type3A = arith.extui %eq3A : vector<1024x8xi1> to vector<1024x8xi32>
    %convert_element_type3A_7 = arith.sitofp %convert_element_type3A : vector<1024x8xi32> to vector<1024x8xf32>
    %dot_general3A = arith.constant dense<0.000000e+00> : vector<1024x128xf32>
    %dot_general3A_8 = tpu.matmul %convert_element_type3A_7, %reduce_sum3A_3, %dot_general3A {dimension_numbers = #tpu.dot_dimension_numbers<[1], [0], [0], [1], [0, 0, 1, 1], [], []>, transpose_lhs_hint = false} : vector<1024x8xf32>, vector<8x128xf32>, vector<1024x128xf32> -> vector<1024x128xf32>
    %iota3A_9 = tpu.iota {dimensions = array<i32: 0>} : vector<1024x128xi32>
    %and3A = arith.constant 127 : i32
    %and3A_10 = vector.broadcast %and3A : i32 to vector<1024x128xi32>
    %and3A_11 = arith.andi %iota3A_9, %and3A_10 : vector<1024x128xi32>
    %iota3A_12 = tpu.iota {dimensions = array<i32: 1>} : vector<1024x128xi32>
    %eq3A_13 = arith.cmpi eq, %and3A_11, %iota3A_12 : vector<1024x128xi32>
    %convert_element_type3A_14 = arith.extui %eq3A_13 : vector<1024x128xi1> to vector<1024x128xi32>
    %convert_element_type3A_15 = arith.sitofp %convert_element_type3A_14 : vector<1024x128xi32> to vector<1024x128xf32>
    %mul3A = arith.mulf %dot_general3A_8, %convert_element_type3A_15 : vector<1024x128xf32>
    %reduce_sum3A_16 = arith.constant dense<0.000000e+00> : vector<1024xf32>
    %reduce_sum3A_17 = vector.multi_reduction <add>, %mul3A, %reduce_sum3A_16 [1] : vector<1024x128xf32> to vector<1024xf32>
    %broadcast_in_dim3A = vector.shape_cast %reduce_sum3A_17 : vector<1024xf32> to vector<1024x1xf32>
    %max3A = arith.constant 1.000000e+00 : f32
    %max3A_18 = vector.broadcast %max3A : f32 to vector<1024x1xf32>
    %max3A_19 = arith.maximumf %broadcast_in_dim3A, %max3A_18 : vector<1024x1xf32>
    %div3A = arith.constant 1.000000e+00 : f32
    %div3A_20 = vector.broadcast %div3A : f32 to vector<1024x1xf32>
    %div3A_21 = arith.divf %div3A_20, %max3A_19 : vector<1024x1xf32>
    %get3A_22 = arith.constant 0 : index
    %get3A_23 = arith.constant 0 : index
    %get3A_24 = arith.constant 0 : index
    %get3A_25 = vector.load %arg1[%get3A_22, %get3A_23, %get3A_24] : memref<1x1024x128xf32, #tpu.memory_space<vmem>>, vector<1x1024x128xf32>
    %get3A_26 = vector.shape_cast %get3A_25 : vector<1x1024x128xf32> to vector<1024x128xf32>
    %get3A_27 = arith.constant 0 : index
    %get3A_28 = arith.constant 0 : index
    %get3A_29 = arith.constant 0 : index
    %get3A_30 = vector.load %arg2[%get3A_27, %get3A_28, %get3A_29] : memref<1x1024x128xf32, #tpu.memory_space<vmem>>, vector<1x1024x128xf32>
    %get3A_31 = vector.shape_cast %get3A_30 : vector<1x1024x128xf32> to vector<1024x128xf32>
    %add3A = arith.addf %get3A_26, %get3A_31 : vector<1024x128xf32>
    %mul3A_32 = vector.broadcast %div3A_21 : vector<1024x1xf32> to vector<1024x128xf32>
    %mul3A_33 = arith.mulf %add3A, %mul3A_32 : vector<1024x128xf32>
    %get3A_34 = arith.constant 0 : index
    %get3A_35 = arith.constant 0 : index
    %get3A_36 = vector.load %arg5[%get3A_34, %get3A_35] : memref<128x128xf32, #tpu.memory_space<vmem>>, vector<128x128xf32>
    %dot_general3A_37 = arith.constant dense<0.000000e+00> : vector<1024x128xf32>
    %dot_general3A_38 = tpu.matmul %mul3A_33, %get3A_36, %dot_general3A_37 {dimension_numbers = #tpu.dot_dimension_numbers<[1], [0], [0], [1], [0, 0, 1, 1], [], []>, transpose_lhs_hint = false} : vector<1024x128xf32>, vector<128x128xf32>, vector<1024x128xf32> -> vector<1024x128xf32>
    %get3A_39 = arith.constant 0 : index
    %get3A_40 = arith.constant 0 : index
    %get3A_41 = vector.load %arg4[%get3A_39, %get3A_40] : memref<1024x128xf32, #tpu.memory_space<vmem>>, vector<1024x128xf32>
    %get3A_42 = arith.constant 0 : index
    %get3A_43 = arith.constant 0 : index
    %get3A_44 = vector.load %arg7[%get3A_42, %get3A_43] : memref<128x128xf32, #tpu.memory_space<vmem>>, vector<128x128xf32>
    %dot_general3A_45 = arith.constant dense<0.000000e+00> : vector<1024x128xf32>
    %dot_general3A_46 = tpu.matmul %get3A_41, %get3A_44, %dot_general3A_45 {dimension_numbers = #tpu.dot_dimension_numbers<[1], [0], [0], [1], [0, 0, 1, 1], [], []>, transpose_lhs_hint = false} : vector<1024x128xf32>, vector<128x128xf32>, vector<1024x128xf32> -> vector<1024x128xf32>
    %add3A_47 = arith.addf %dot_general3A_38, %dot_general3A_46 : vector<1024x128xf32>
    %get3A_48 = arith.constant 0 : index
    %get3A_49 = arith.constant 0 : index
    %get3A_50 = vector.load %arg6[%get3A_48, %get3A_49] : memref<1x128xf32, #tpu.memory_space<vmem>>, vector<1x128xf32>
    %add3A_51 = vector.broadcast %get3A_50 : vector<1x128xf32> to vector<1024x128xf32>
    %add3A_52 = arith.addf %add3A_47, %add3A_51 : vector<1024x128xf32>
    %max3A_53 = arith.constant 0.000000e+00 : f32
    %max3A_54 = vector.broadcast %max3A_53 : f32 to vector<1024x128xf32>
    %max3A_55 = arith.maximumf %add3A_52, %max3A_54 : vector<1024x128xf32>
    %swap3A = arith.constant 0 : index
    %swap3A_56 = arith.constant 0 : index
    %swap3A_57 = vector.load %arg8[%swap3A, %swap3A_56] : memref<1024x128xf32, #tpu.memory_space<vmem>>, vector<1024x128xf32>
    tpu.vector_store %arg8[%swap3A, %swap3A_56], %max3A_55 {strides = array<i32>} : memref<1024x128xf32, #tpu.memory_space<vmem>>, vector<1024x128xf32>,
    %broadcast_in_dim3A_58 = vector.shape_cast %div3A_21 : vector<1024x1xf32> to vector<1024x1xf32>
    %broadcast_in_dim3A_59 = vector.broadcast %broadcast_in_dim3A_58 : vector<1024x1xf32> to vector<1024x128xf32>
    %swap3A_60 = arith.constant 0 : index
    %swap3A_61 = arith.constant 0 : index
    %swap3A_62 = vector.load %arg9[%swap3A_60, %swap3A_61] : memref<1024x128xf32, #tpu.memory_space<vmem>>, vector<1024x128xf32>
    tpu.vector_store %arg9[%swap3A_60, %swap3A_61], %broadcast_in_dim3A_59 {strides = array<i32>} : memref<1024x128xf32, #tpu.memory_space<vmem>>, vector<1024x128xf32>,
    return
  }
  func.func @transform_0(%arg0: i32) -> (i32, i32, i32) {
    %c0_i32 = arith.constant 0 : i32
    %c0_i32_0 = arith.constant 0 : i32
    %c0_i32_1 = arith.constant 0 : i32
    return %c0_i32, %arg0, %c0_i32_0 : i32, i32, i32
  }
  func.func @transform_1(%arg0: i32) -> (i32, i32, i32) {
    %c1_i32 = arith.constant 1 : i32
    %c0_i32 = arith.constant 0 : i32
    %c0_i32_0 = arith.constant 0 : i32
    return %c1_i32, %arg0, %c0_i32 : i32, i32, i32
  }
  func.func @transform_2(%arg0: i32) -> (i32, i32, i32) {
    %c0_i32 = arith.constant 0 : i32
    %c0_i32_0 = arith.constant 0 : i32
    %c0_i32_1 = arith.constant 0 : i32
    return %c0_i32, %arg0, %c0_i32_0 : i32, i32, i32
  }
  func.func @transform_3(%arg0: i32) -> (i32, i32) {
    %c0_i32 = arith.constant 0 : i32
    %c0_i32_0 = arith.constant 0 : i32
    return %arg0, %c0_i32 : i32, i32
  }
  func.func @transform_4(%arg0: i32) -> (i32, i32) {
    %c0_i32 = arith.constant 0 : i32
    %c0_i32_0 = arith.constant 0 : i32
    %c0_i32_1 = arith.constant 0 : i32
    return %c0_i32, %c0_i32_0 : i32, i32
  }
  func.func @transform_5(%arg0: i32) -> (i32, i32) {
    %c0_i32 = arith.constant 0 : i32
    %c0_i32_0 = arith.constant 0 : i32
    %c0_i32_1 = arith.constant 0 : i32
    return %c0_i32, %c0_i32_0 : i32, i32
  }
  func.func @transform_6(%arg0: i32) -> (i32, i32) {
    %c0_i32 = arith.constant 0 : i32
    %c0_i32_0 = arith.constant 0 : i32
    %c0_i32_1 = arith.constant 0 : i32
    return %c0_i32, %c0_i32_0 : i32, i32
  }
  func.func @transform_7(%arg0: i32) -> (i32, i32) {
    %c0_i32 = arith.constant 0 : i32
    %c0_i32_0 = arith.constant 0 : i32
    return %arg0, %c0_i32 : i32, i32
  }
  func.func @transform_8(%arg0: i32) -> (i32, i32) {
    %c0_i32 = arith.constant 0 : i32
    %c0_i32_0 = arith.constant 0 : i32
    return %arg0, %c0_i32 : i32, i32
  }
}

module attributes {stable_mosaic.version = 14 : i64} {
  func.func @_final_body(%arg0: i32, %arg1: memref<1x1024x128xf32, #tpu.memory_space<vmem>>, %arg2: memref<1x1024x128xf32, #tpu.memory_space<vmem>>, %arg3: memref<1024x128xf32, #tpu.memory_space<vmem>>, %arg4: memref<1024x128xf32, #tpu.memory_space<vmem>>, %arg5: memref<1x1x1024xi32, #tpu.memory_space<vmem>>, %arg6: memref<128x128xf32, #tpu.memory_space<vmem>>, %arg7: memref<1x128xf32, #tpu.memory_space<vmem>>, %arg8: memref<128x128xf32, #tpu.memory_space<vmem>>, %arg9: memref<128x128xf32, #tpu.memory_space<vmem>>, %arg10: memref<1x128xf32, #tpu.memory_space<vmem>>, %arg11: memref<64x128xf32, #tpu.memory_space<vmem>>, %arg12: memref<64x128xf32, #tpu.memory_space<vmem>>, %arg13: memref<64x128xf32, #tpu.memory_space<vmem>>) attributes {dimension_semantics = [#tpu.dimension_semantics<arbitrary>], iteration_bounds = array<i64: 10>, scalar_prefetch = 0 : i64, scratch_operands = 2 : i64, tpu.core_type = #tpu.core_type<tc>, window_params = [{transform_indices = @transform_0, window_bounds = array<i64: 1, 1024, 128>}, {transform_indices = @transform_1, window_bounds = array<i64: 1, 1024, 128>}, {transform_indices = @transform_2, window_bounds = array<i64: 1024, 128>}, {transform_indices = @transform_3, window_bounds = array<i64: 1024, 128>}, {transform_indices = @transform_4, window_bounds = array<i64: 1, 1, 1024>}, {pipeline_mode = #tpu.pipeline_mode<synchronous>, transform_indices = @transform_5, window_bounds = array<i64: 128, 128>}, {pipeline_mode = #tpu.pipeline_mode<synchronous>, transform_indices = @transform_6, window_bounds = array<i64: 1, 128>}, {pipeline_mode = #tpu.pipeline_mode<synchronous>, transform_indices = @transform_7, window_bounds = array<i64: 128, 128>}, {pipeline_mode = #tpu.pipeline_mode<synchronous>, transform_indices = @transform_8, window_bounds = array<i64: 128, 128>}, {pipeline_mode = #tpu.pipeline_mode<synchronous>, transform_indices = @transform_9, window_bounds = array<i64: 1, 128>}, {pipeline_mode = #tpu.pipeline_mode<synchronous>, transform_indices = @transform_10, window_bounds = array<i64: 64, 128>}]} {
    %get3A = arith.constant 0 : index
    %get3A_0 = arith.constant 0 : index
    %get3A_1 = arith.constant 0 : index
    %get3A_2 = vector.load %arg1[%get3A, %get3A_0, %get3A_1] : memref<1x1024x128xf32, #tpu.memory_space<vmem>>, vector<1x1024x128xf32>
    %get3A_3 = vector.shape_cast %get3A_2 : vector<1x1024x128xf32> to vector<1024x128xf32>
    %get3A_4 = arith.constant 0 : index
    %get3A_5 = arith.constant 0 : index
    %get3A_6 = arith.constant 0 : index
    %get3A_7 = vector.load %arg2[%get3A_4, %get3A_5, %get3A_6] : memref<1x1024x128xf32, #tpu.memory_space<vmem>>, vector<1x1024x128xf32>
    %get3A_8 = vector.shape_cast %get3A_7 : vector<1x1024x128xf32> to vector<1024x128xf32>
    %add3A = arith.addf %get3A_3, %get3A_8 : vector<1024x128xf32>
    %get3A_9 = arith.constant 0 : index
    %get3A_10 = arith.constant 0 : index
    %get3A_11 = vector.load %arg4[%get3A_9, %get3A_10] : memref<1024x128xf32, #tpu.memory_space<vmem>>, vector<1024x128xf32>
    %mul3A = arith.mulf %add3A, %get3A_11 : vector<1024x128xf32>
    %get3A_12 = arith.constant 0 : index
    %get3A_13 = arith.constant 0 : index
    %get3A_14 = vector.load %arg6[%get3A_12, %get3A_13] : memref<128x128xf32, #tpu.memory_space<vmem>>, vector<128x128xf32>
    %dot_general3A = arith.constant dense<0.000000e+00> : vector<1024x128xf32>
    %dot_general3A_15 = tpu.matmul %mul3A, %get3A_14, %dot_general3A {dimension_numbers = #tpu.dot_dimension_numbers<[1], [0], [0], [1], [0, 0, 1, 1], [], []>, transpose_lhs_hint = false} : vector<1024x128xf32>, vector<128x128xf32>, vector<1024x128xf32> -> vector<1024x128xf32>
    %get3A_16 = arith.constant 0 : index
    %get3A_17 = arith.constant 0 : index
    %get3A_18 = vector.load %arg3[%get3A_16, %get3A_17] : memref<1024x128xf32, #tpu.memory_space<vmem>>, vector<1024x128xf32>
    %get3A_19 = arith.constant 0 : index
    %get3A_20 = arith.constant 0 : index
    %get3A_21 = vector.load %arg8[%get3A_19, %get3A_20] : memref<128x128xf32, #tpu.memory_space<vmem>>, vector<128x128xf32>
    %dot_general3A_22 = arith.constant dense<0.000000e+00> : vector<1024x128xf32>
    %dot_general3A_23 = tpu.matmul %get3A_18, %get3A_21, %dot_general3A_22 {dimension_numbers = #tpu.dot_dimension_numbers<[1], [0], [0], [1], [0, 0, 1, 1], [], []>, transpose_lhs_hint = false} : vector<1024x128xf32>, vector<128x128xf32>, vector<1024x128xf32> -> vector<1024x128xf32>
    %add3A_24 = arith.addf %dot_general3A_15, %dot_general3A_23 : vector<1024x128xf32>
    %get3A_25 = arith.constant 0 : index
    %get3A_26 = arith.constant 0 : index
    %get3A_27 = vector.load %arg7[%get3A_25, %get3A_26] : memref<1x128xf32, #tpu.memory_space<vmem>>, vector<1x128xf32>
    %add3A_28 = vector.broadcast %get3A_27 : vector<1x128xf32> to vector<1024x128xf32>
    %add3A_29 = arith.addf %add3A_24, %add3A_28 : vector<1024x128xf32>
    %max3A = arith.constant 0.000000e+00 : f32
    %max3A_30 = vector.broadcast %max3A : f32 to vector<1024x128xf32>
    %max3A_31 = arith.maximumf %add3A_29, %max3A_30 : vector<1024x128xf32>
    %get3A_32 = arith.constant 0 : index
    %get3A_33 = arith.constant 0 : index
    %get3A_34 = arith.constant 0 : index
    %get3A_35 = vector.load %arg5[%get3A_32, %get3A_33, %get3A_34] : memref<1x1x1024xi32, #tpu.memory_space<vmem>>, vector<1x1x1024xi32>
    %get3A_36 = vector.shape_cast %get3A_35 : vector<1x1x1024xi32> to vector<1x1024xi32>
    %iota3A = tpu.iota {dimensions = array<i32: 0>} : vector<64x1024xi32>
    %eq3A = vector.broadcast %get3A_36 : vector<1x1024xi32> to vector<64x1024xi32>
    %eq3A_37 = arith.cmpi eq, %iota3A, %eq3A : vector<64x1024xi32>
    %convert_element_type3A = arith.extui %eq3A_37 : vector<64x1024xi1> to vector<64x1024xi32>
    %convert_element_type3A_38 = arith.sitofp %convert_element_type3A : vector<64x1024xi32> to vector<64x1024xf32>
    %dot_general3A_39 = arith.constant dense<0.000000e+00> : vector<64x128xf32>
    %dot_general3A_40 = tpu.matmul %convert_element_type3A_38, %max3A_31, %dot_general3A_39 {dimension_numbers = #tpu.dot_dimension_numbers<[1], [0], [0], [1], [0, 0, 1, 1], [], []>, transpose_lhs_hint = false} : vector<64x1024xf32>, vector<1024x128xf32>, vector<64x128xf32> -> vector<64x128xf32>
    %broadcast_in_dim3A = arith.constant 1.000000e+00 : f32
    %broadcast_in_dim3A_41 = vector.broadcast %broadcast_in_dim3A : f32 to vector<1024x128xf32>
    %dot_general3A_42 = arith.constant dense<0.000000e+00> : vector<64x128xf32>
    %dot_general3A_43 = tpu.matmul %convert_element_type3A_38, %broadcast_in_dim3A_41, %dot_general3A_42 {dimension_numbers = #tpu.dot_dimension_numbers<[1], [0], [0], [1], [0, 0, 1, 1], [], []>, transpose_lhs_hint = false} : vector<64x1024xf32>, vector<1024x128xf32>, vector<64x128xf32> -> vector<64x128xf32>
    %eq3A_44 = arith.constant 0 : i32
    %eq3A_45 = arith.cmpi eq, %arg0, %eq3A_44 : i32
    %convert_element_type3A_46 = arith.extui %eq3A_45 : i1 to i32
    %cond3A = arith.constant 0 : i32
    %cond3A_47 = arith.cmpi ne, %convert_element_type3A_46, %cond3A : i32
    scf.if %cond3A_47 {
      %swap3A = arith.constant 0 : index
      %swap3A_57 = arith.constant 0 : index
      %swap3A_58 = vector.load %arg12[%swap3A, %swap3A_57] : memref<64x128xf32, #tpu.memory_space<vmem>>, vector<64x128xf32>
      tpu.vector_store %arg12[%swap3A, %swap3A_57], %dot_general3A_40 {strides = array<i32>} : memref<64x128xf32, #tpu.memory_space<vmem>>, vector<64x128xf32>,
      %swap3A_59 = arith.constant 0 : index
      %swap3A_60 = arith.constant 0 : index
      %swap3A_61 = vector.load %arg13[%swap3A_59, %swap3A_60] : memref<64x128xf32, #tpu.memory_space<vmem>>, vector<64x128xf32>
      tpu.vector_store %arg13[%swap3A_59, %swap3A_60], %dot_general3A_43 {strides = array<i32>} : memref<64x128xf32, #tpu.memory_space<vmem>>, vector<64x128xf32>,
    } else {
    }
    %gt3A = arith.constant 0 : i32
    %gt3A_48 = arith.cmpi sgt, %arg0, %gt3A : i32
    %convert_element_type3A_49 = arith.extui %gt3A_48 : i1 to i32
    %cond3A_50 = arith.constant 0 : i32
    %cond3A_51 = arith.cmpi ne, %convert_element_type3A_49, %cond3A_50 : i32
    scf.if %cond3A_51 {
      %get3A_57 = arith.constant 0 : index
      %get3A_58 = arith.constant 0 : index
      %get3A_59 = vector.load %arg12[%get3A_57, %get3A_58] : memref<64x128xf32, #tpu.memory_space<vmem>>, vector<64x128xf32>
      %add3A_60 = arith.addf %get3A_59, %dot_general3A_40 : vector<64x128xf32>
      %swap3A = arith.constant 0 : index
      %swap3A_61 = arith.constant 0 : index
      %swap3A_62 = vector.load %arg12[%swap3A, %swap3A_61] : memref<64x128xf32, #tpu.memory_space<vmem>>, vector<64x128xf32>
      tpu.vector_store %arg12[%swap3A, %swap3A_61], %add3A_60 {strides = array<i32>} : memref<64x128xf32, #tpu.memory_space<vmem>>, vector<64x128xf32>,
      %get3A_63 = arith.constant 0 : index
      %get3A_64 = arith.constant 0 : index
      %get3A_65 = vector.load %arg13[%get3A_63, %get3A_64] : memref<64x128xf32, #tpu.memory_space<vmem>>, vector<64x128xf32>
      %add3A_66 = arith.addf %get3A_65, %dot_general3A_43 : vector<64x128xf32>
      %swap3A_67 = arith.constant 0 : index
      %swap3A_68 = arith.constant 0 : index
      %swap3A_69 = vector.load %arg13[%swap3A_67, %swap3A_68] : memref<64x128xf32, #tpu.memory_space<vmem>>, vector<64x128xf32>
      tpu.vector_store %arg13[%swap3A_67, %swap3A_68], %add3A_66 {strides = array<i32>} : memref<64x128xf32, #tpu.memory_space<vmem>>, vector<64x128xf32>,
    } else {
    }
    %eq3A_52 = arith.constant 9 : i32
    %eq3A_53 = arith.cmpi eq, %arg0, %eq3A_52 : i32
    %convert_element_type3A_54 = arith.extui %eq3A_53 : i1 to i32
    %cond3A_55 = arith.constant 0 : i32
    %cond3A_56 = arith.cmpi ne, %convert_element_type3A_54, %cond3A_55 : i32
    scf.if %cond3A_56 {
      %get3A_57 = arith.constant 0 : index
      %get3A_58 = arith.constant 0 : index
      %get3A_59 = vector.load %arg12[%get3A_57, %get3A_58] : memref<64x128xf32, #tpu.memory_space<vmem>>, vector<64x128xf32>
      %get3A_60 = arith.constant 0 : index
      %get3A_61 = arith.constant 0 : index
      %get3A_62 = vector.load %arg13[%get3A_60, %get3A_61] : memref<64x128xf32, #tpu.memory_space<vmem>>, vector<64x128xf32>
      %max3A_63 = arith.constant 1.000000e+00 : f32
      %max3A_64 = vector.broadcast %max3A_63 : f32 to vector<64x128xf32>
      %max3A_65 = arith.maximumf %get3A_62, %max3A_64 : vector<64x128xf32>
      %div3A = arith.divf %get3A_59, %max3A_65 : vector<64x128xf32>
      %get3A_66 = arith.constant 0 : index
      %get3A_67 = arith.constant 0 : index
      %get3A_68 = vector.load %arg9[%get3A_66, %get3A_67] : memref<128x128xf32, #tpu.memory_space<vmem>>, vector<128x128xf32>
      %dot_general3A_69 = arith.constant dense<0.000000e+00> : vector<64x128xf32>
      %dot_general3A_70 = tpu.matmul %div3A, %get3A_68, %dot_general3A_69 {dimension_numbers = #tpu.dot_dimension_numbers<[1], [0], [0], [1], [0, 0, 1, 1], [], []>, transpose_lhs_hint = false} : vector<64x128xf32>, vector<128x128xf32>, vector<64x128xf32> -> vector<64x128xf32>
      %get3A_71 = arith.constant 0 : index
      %get3A_72 = arith.constant 0 : index
      %get3A_73 = vector.load %arg10[%get3A_71, %get3A_72] : memref<1x128xf32, #tpu.memory_space<vmem>>, vector<1x128xf32>
      %add3A_74 = vector.broadcast %get3A_73 : vector<1x128xf32> to vector<64x128xf32>
      %add3A_75 = arith.addf %dot_general3A_70, %add3A_74 : vector<64x128xf32>
      %swap3A = arith.constant 0 : index
      %swap3A_76 = arith.constant 0 : index
      %swap3A_77 = vector.load %arg11[%swap3A, %swap3A_76] : memref<64x128xf32, #tpu.memory_space<vmem>>, vector<64x128xf32>
      tpu.vector_store %arg11[%swap3A, %swap3A_76], %add3A_75 {strides = array<i32>} : memref<64x128xf32, #tpu.memory_space<vmem>>, vector<64x128xf32>,
    } else {
    }
    return
  }
  func.func @transform_0(%arg0: i32) -> (i32, i32, i32) {
    %c0_i32 = arith.constant 0 : i32
    %c0_i32_0 = arith.constant 0 : i32
    %c0_i32_1 = arith.constant 0 : i32
    return %c0_i32, %arg0, %c0_i32_0 : i32, i32, i32
  }
  func.func @transform_1(%arg0: i32) -> (i32, i32, i32) {
    %c1_i32 = arith.constant 1 : i32
    %c0_i32 = arith.constant 0 : i32
    %c0_i32_0 = arith.constant 0 : i32
    return %c1_i32, %arg0, %c0_i32 : i32, i32, i32
  }
  func.func @transform_2(%arg0: i32) -> (i32, i32) {
    %c0_i32 = arith.constant 0 : i32
    %c0_i32_0 = arith.constant 0 : i32
    return %arg0, %c0_i32 : i32, i32
  }
  func.func @transform_3(%arg0: i32) -> (i32, i32) {
    %c0_i32 = arith.constant 0 : i32
    %c0_i32_0 = arith.constant 0 : i32
    return %arg0, %c0_i32 : i32, i32
  }
  func.func @transform_4(%arg0: i32) -> (i32, i32, i32) {
    %c0_i32 = arith.constant 0 : i32
    %c0_i32_0 = arith.constant 0 : i32
    %c0_i32_1 = arith.constant 0 : i32
    return %arg0, %c0_i32, %c0_i32_0 : i32, i32, i32
  }
  func.func @transform_5(%arg0: i32) -> (i32, i32) {
    %c0_i32 = arith.constant 0 : i32
    %c0_i32_0 = arith.constant 0 : i32
    %c0_i32_1 = arith.constant 0 : i32
    return %c0_i32, %c0_i32_0 : i32, i32
  }
  func.func @transform_6(%arg0: i32) -> (i32, i32) {
    %c0_i32 = arith.constant 0 : i32
    %c0_i32_0 = arith.constant 0 : i32
    %c0_i32_1 = arith.constant 0 : i32
    return %c0_i32, %c0_i32_0 : i32, i32
  }
  func.func @transform_7(%arg0: i32) -> (i32, i32) {
    %c0_i32 = arith.constant 0 : i32
    %c0_i32_0 = arith.constant 0 : i32
    %c0_i32_1 = arith.constant 0 : i32
    return %c0_i32, %c0_i32_0 : i32, i32
  }
  func.func @transform_8(%arg0: i32) -> (i32, i32) {
    %c0_i32 = arith.constant 0 : i32
    %c0_i32_0 = arith.constant 0 : i32
    %c0_i32_1 = arith.constant 0 : i32
    return %c0_i32, %c0_i32_0 : i32, i32
  }
  func.func @transform_9(%arg0: i32) -> (i32, i32) {
    %c0_i32 = arith.constant 0 : i32
    %c0_i32_0 = arith.constant 0 : i32
    %c0_i32_1 = arith.constant 0 : i32
    return %c0_i32, %c0_i32_0 : i32, i32
  }
  func.func @transform_10(%arg0: i32) -> (i32, i32) {
    %c0_i32 = arith.constant 0 : i32
    %c0_i32_0 = arith.constant 0 : i32
    %c0_i32_1 = arith.constant 0 : i32
    return %c0_i32, %c0_i32_0 : i32, i32
  }
}

</mosaic_0001>

<sc_bundles>
// kernel: kernel.10.cloned.1.call-start
scs
__scs_entry_jumppad:
0x0: {  	(pc) =	sbr.rel $0x88, $3  }
0x1: {  	(tag) =	ssettag $0x0;
	lr =	simm.s32 $0x1  }
0x2: {  	[smem:$0x3F90] =	sst lr;
	_ =	strace $0xD0000000  }
0x3: {  	_ = 	snop  }
0x4: {  	_ = 	snop  }
0x5: {  	_ = 	snop  }
0x6: {  	_ = 	snop  }
0x7: {  	_ = 	snop  }
__scs_overlays_trampoline_lowered:
0x8: {  	[smem:$0x3F9F] =	sst s0  }
0x9: {  	[smem:$0x3FA0] =	sst s1  }
0xa: {  	[smem:$0x3FA1] =	sst s2  }
0xb: {  	[smem:$0x3FA2] =	sst s3  }
0xc: {  	[smem:$0x3FA3] =	sst s4  }
0xd: {  	[smem:$0x3FA4] =	sst s5  }
0xe: {  	[smem:$0x3FA5] =	sst s6  }
0xf: {  	[smem:$0x3FA6] =	sst s7  }
0x10: {  	[smem:$0x3FA7] =	sst s8  }
0x11: {  	[smem:$0x3FA8] =	sst s9;
	s0 =	simm.s32 @!p0 $0x0  }
0x12: {  	s1 =	sld [smem:$0x3F8E];
	s0 =	simm.s32 @p0 $0x1  }
0x13: {  	[smem:$0x3FA9] =	sst s0;
	s0 =	simm.s32 @!p1 $0x0  }
0x14: {  	s2 =	sld [smem:$0x3F8D];
	s0 =	simm.s32 @p1 $0x1  }
0x15: {  	[smem:$0x3FAA] =	sst s0;
	s0 =	simm.s32 @!p2 $0x0  }
0x16: {  	s3 =	sld [smem:$0x3FDB];
	s0 =	simm.s32 @p2 $0x1  }
0x17: {  	s4 =	simm.s32 $0x1BF5;
	[smem:$0x3FAC] =	sst s0  }
0x18: {  	s0 =	sld [smem:$0x3F8F];
	_ =	swait.ge [sflag:s4], $0x0  }
0x19: {  	s7 =	sld [smem:$0x3F90]  }
0x1a: {  	s8 =	sadd.s32 $0xFFFFE003, lr  }
0x1b: {  	s9 =	sadd.s32 $0xFFFFFEF7, lr;
	s5 =	simm.s32 $0xFFFFFFFF;
	p2 =	slt.u32 s8, $0xFFFFF086  }
0x1c: {  	p1 =	slt.u32 s9, $0xF7A;
	s5 =	simm.s32 @!p2 $0x0  }
0x1d: {  	s5 =	simm.s32 @p1 $0x1;
	p0 =	seq.s32 s7, s2  }
0x1e: {  	s7 =	smul.u32 @!p0 $0xF7A, s2;
	p2 =	seq.s32 @!p0 s5, $0x0  }
0x1f: {  	s9 =	smul.u32 $0xF7A, s1;
	s8 =	simm.s32 @!p0 $0x1BF5;
	p2 =	por !p2, p0  }
0x20: {  	[sflag:s8] =	ssyncset.s32 @!p0 $0xFFFFF086;
	s6 =	sadd.s32 @!p0 s3, s7;
	s7 =	simm.s32 @!p0 $0x108  }
0x21: {  	s3 =	sadd.s32 s3, s9;
	s6 =	sadd.s32 @!p0 $0x88, s6;
	s7 =	simm.s32 @p2 $0x1082  }
0x22: {  	[simem:s7], [sflag:s8] =	dma.local @!p0 [hbm:s6], $0xF7A  }
0x23: {  	s9 =	sor.u32 $0xD0000000, s2;
	s6 =	simm.s32 $0x108;
	_ =	swait.ge @!p0 [sflag:s8], $0x0  }
0x24: {  	s3 =	sadd.s32 $0x88, s3;
	s6 =	simm.s32 @!p1 $0x1082;
	[sflag:s4] =	ssyncset.s32 $0xFFFFF086  }
0x25: {  	[simem:s6], [sflag:s4] =	dma.local [hbm:s3], $0xF7A  }
0x26: {  	[smem:$0x3F90] =	sst s1;
	(tag) =	ssettag s2;
	_ =	strace s9  }
0x27: {  	s1 =	sld [smem:$0x3FA0]  }
0x28: {  	s2 =	sld [smem:$0x3FA1]  }
0x29: {  	s4 =	sld [smem:$0x3FA3]  }
0x2a: {  	p0 =	seq.s32 s5, $0x0;
	s5 =	sld [smem:$0x3FA4]  }
0x2b: {  	s6 =	sld [smem:$0x3FA5]  }
0x2c: {  	s7 =	sld [smem:$0x3FA6]  }
0x2d: {  	s3 =	simm.s32 $0x108;
	s8 =	sld [smem:$0x3FA7]  }
0x2e: {  	s3 =	simm.s32 @!p0 $0x1082;
	s9 =	sld [smem:$0x3FA8]  }
0x2f: {  	lr =	sadd.s32 s0, s3;
	s0 =	sld [smem:$0x3F9F]  }
0x30: {  	s3 =	sld [smem:$0x3FA2]  }
0x31: {  	[smem:$0x3FAB] =	sst s10  }
0x32: {  	s10 =	sld [smem:$0x3FA9];
	_ =	sdelay $0x3  }
0x33: {  	p0 =	seq.s32 s10, $0x1;
	s10 =	sld [smem:$0x3FAB];
	_ =	sdelay $0x3  }
0x34: {  	[smem:$0x3FAB] =	sst s10  }
0x35: {  	s10 =	sld [smem:$0x3FAA];
	_ =	sdelay $0x3  }
0x36: {  	p1 =	seq.s32 s10, $0x1;
	s10 =	sld [smem:$0x3FAB];
	_ =	sdelay $0x3  }
0x37: {  	[smem:$0x3FAB] =	sst s10  }
0x38: {  	s10 =	sld [smem:$0x3FAC]  }
0x39: {  	_ = 	snop;
	(pc) =	sbr.ind lr, $3  }
0x3a: {  	_ = 	snop  }
0x3b: {  	_ = 	snop  }
0x3c: {  	p2 =	seq.s32 s10, $0x1;
	s10 =	sld [smem:$0x3FAB]  }
0x3d: {  	_ =	shalt  }
0x3e: {  	_ =	shalt  }
0x3f: {  	_ =	shalt  }
0x40: {  	_ =	shalt  }
0x41: {  	_ =	shalt  }
0x42: {  	_ =	shalt  }
0x43: {  	_ =	shalt  }
0x44: {  	_ =	shalt  }
0x45: {  	_ =	shalt  }
0x46: {  	_ =	shalt  }
0x47: {  	_ =	shalt  }
0x48: {  	_ =	shalt  }
0x49: {  	_ =	shalt  }
0x4a: {  	_ =	shalt  }
0x4b: {  	_ =	shalt  }
0x4c: {  	_ =	shalt  }
0x4d: {  	_ =	shalt  }
0x4e: {  	_ =	shalt  }
0x4f: {  	_ =	shalt  }
0x50: {  	_ =	shalt  }
0x51: {  	_ =	shalt  }
0x52: {  	_ =	shalt  }
0x53: {  	_ =	shalt  }
0x54: {  	_ =	shalt  }
0x55: {  	_ =	shalt  }
0x56: {  	_ =	shalt  }
0x57: {  	_ =	shalt  }
0x58: {  	_ =	shalt  }
0x59: {  	_ =	shalt  }
0x5a: {  	_ =	shalt  }
0x5b: {  	_ =	shalt  }
0x5c: {  	_ =	shalt  }
0x5d: {  	_ =	shalt  }
0x5e: {  	_ =	shalt  }
0x5f: {  	_ =	shalt  }
0x60: {  	_ =	shalt  }
0x61: {  	_ =	shalt  }
0x62: {  	_ =	shalt  }
0x63: {  	_ =	shalt  }
0x64: {  	_ =	shalt  }
0x65: {  	_ =	shalt  }
0x66: {  	_ =	shalt  }
0x67: {  	_ =	shalt  }
0x68: {  	_ =	shalt  }
0x69: {  	_ =	shalt  }
0x6a: {  	_ =	shalt  }
0x6b: {  	_ =	shalt  }
0x6c: {  	_ =	shalt  }
0x6d: {  	_ =	shalt  }
0x6e: {  	_ =	shalt  }
0x6f: {  	_ =	shalt  }
0x70: {  	_ =	shalt  }
0x71: {  	_ =	shalt  }
0x72: {  	_ =	shalt  }
0x73: {  	_ =	shalt  }
0x74: {  	_ =	shalt  }
0x75: {  	_ =	shalt  }
0x76: {  	_ =	shalt  }
0x77: {  	_ =	shalt  }
0x78: {  	_ =	shalt  }
0x79: {  	_ =	shalt  }
0x7a: {  	_ =	shalt  }
0x7b: {  	_ =	shalt  }
0x7c: {  	_ =	shalt  }
0x7d: {  	_ =	shalt  }
0x7e: {  	_ =	shalt  }
0x7f: {  	_ =	shalt  }
0x80: {  	_ =	shalt  }
0x81: {  	_ =	shalt  }
0x82: {  	_ =	shalt  }
0x83: {  	_ =	shalt  }
0x84: {  	_ =	shalt  }
0x85: {  	_ =	shalt  }
0x86: {  	_ =	shalt  }
0x87: {  	_ =	shalt  }
.Lfunc_end0:
.L_simem_size_0:
called_computation.1_lowered:
.L_overlay_start_0:
0x88: {  	s2 =	sld [smem:$0x3FD9]  }
0x89: {  	s3 =	sld [smem:$0x3FFE];
	_ =	sdelay $0x1  }
0x8a: {  	s1 =	srdreg.scid  }
0x8b: {  	s0 =	sand.u32 $0x1, s1  }
0x8c: {  	s16 =	sshll.u32 s0, $0xA;
	s2 =	sadd.s32 s3, s2  }
0x8d: {  	s2 =	sadd.s32 s2, s16  }
0x8e: {  	[smem:$0x3FB7] =	sst s2  }
0x8f: {  	_ = 	snop  }
0x90: {  	(tm) =	ssettm $0x1  }
0x91: {  	s17 =	sld [smem:$0x3FFB];
	_ =	sdelay $0x3  }
0x92: {  	_ =	strace s17  }
0x93: {  	s2 =	sld [smem:$0x3FFC];
	_ =	sdelay $0x3  }
0x94: {  	_ =	strace s2  }
0x95: {  	s2 =	sld [smem:$0x3FFD];
	_ =	sdelay $0x3  }
0x96: {  	_ =	strace s2  }
0x97: {  	_ =	strace $0x8FFFFFFF  }
0x98: {  	s18 =	sld [smem:$0x3FDB];
	_ =	sdelay $0x1  }
0x99: {  	s19 =	simm.s32 $_scs_section_size  }
0x9a: {  	s4 =	simm.s32 $_size__tile_overlayer_lowered;
	s5 =	simm.s32 $_tile_overlayer_lowered  }
0x9b: {  	s22 =	simm.s32 $0x1BFF;
	s21 =	sshll.u32 s5, $0x1;
	s2 =	sadd.s32 s19, s18  }
0x9c: {  	s6 =	simm.s32 $0x0;
	s20 =	sshll.u32 s4, $0x1;
	s4 =	sadd.s32 s21, s2  }
0x9d: {  	[timem:s6], [sflag:s22] =	dma.local [hbm:s4], s20  }
0x9e: {  	_ =	swait.ge [sflag:s22], s20  }
0x9f: {  	s3 =	ssub.s32 $0x0, s20;
	[sflag:s22] =	ssyncset.done $0x0  }
0xa0: {  	[sflag:s22] =	ssyncadd.s32 s3;
	_ =	sdelay $0x1  }
0xa1: {  	s23 =	simm.s32 $0x1B8B  }
0xa2: {  	_ =	swait.ge [sflag:s23], $0x1  }
0xa3: {  	[sflag:s23] =	ssyncset.done $0x0  }
0xa4: {  	s25 =	simm.s32 $0x1B8E;
	s24 =	sld [smem:$0x3FFE];
	[sflag:s23] =	ssyncadd.s32 $0xFFFFFFFF  }
0xa5: {  	s26 =	simm.s32 $execute0_lowered;
	[smem:$0x3FD2] =	sst s25  }
0xa6: {  	s4 =	sshll.u32 s26, $0x1;
	_ =	strace $0x80000049;
	[dreg:$0x1] =	wrdreg $0xFFFFFFFF  }
0xa7: {  	s28 =	simm.s32 $_size_execute0_lowered;
	s2 =	sadd.s32 s2, s4;
	[dreg:$0x0] =	wrdreg $0x0  }
0xa8: {  	s4 =	sshll.u32 s28, $0x1;
	[dreg:$0x2] =	wrdreg s2  }
0xa9: {  	[dreg:$0x3] =	wrdreg s4  }
0xaa: {  	[dreg:$0x4] =	wrdreg $0xC0  }
0xab: {  	_ =	task [dreg:s6], $0x5FFFF  }
0xac: {  	[dreg:$0x1] =	wrdreg $0xFFFFFFFF  }
0xad: {  	[dreg:$0x0] =	wrdreg $0x60  }
0xae: {  	[dreg:$0x2] =	wrdreg s24  }
0xaf: {  	[dreg:$0x3] =	wrdreg $0x82000  }
0xb0: {  	[dreg:$0x4] =	wrdreg $0x9  }
0xb1: {  	_ =	task.clear_ibuf [dreg:s6], $0x5FFFF;
	_ =	strace $0x90000049  }
0xb2: {  	s29 =	simm.s32 $0x9;
	_ =	strace $0x8000004B  }
0xb3: {  	_ =	swait.ge [sflag:s29], $0x1  }
0xb4: {  	[sflag:s29] =	ssyncadd.s32 $0xFFFFFFFF  }
0xb5: {  	_ =	strace $0x9000004B  }
0xb6: {  	_ =	sfence  }
0xb7: {  	s30 =	sld [smem:$0x0];
	_ =	sdelay $0x2  }
0xb8: {  	s31 =	sshll.u32 s1, $0xD;
	s1 =	sshrl.u32 s1, $0x2  }
0xb9: {  	s3 =	sand.u32 $0x4000, s31;
	s1 =	sadd.s32 s1, s30  }
0xba: {  	s0 =	sor.u32 s3, s0;
	s1 =	sshll.u32 s1, $0x11  }
0xbb: {  	s0 =	sor.u32 s1, s0  }
0xbc: {  	s0 =	sadd.s32 $0x8F2B, s0  }
0xbd: {  	[sflag:s0] =	ssyncadd.remote.s32 $0x1  }
0xbe: {  	_ =	sfence.sel $0xFFFF  }
0xbf: {  	[dreg:$0x0] =	wrdreg $0xFFFFFFFF;
	(pc) =	sbr.abs _section_cstart, $3  }
0xc0: {  	[dreg:$0x1] =	wrdreg $0xFFFFFFFF  }
0xc1: {  	_ =	task.clear_ibuf [dreg:s6], $0x2FFFF;
	_ =	strace $0x9FFFFFFF  }
0xc2: {  	(tm) =	ssettm $0x7FFFFFFF  }
0xc3: {  	_ =	shalt  }
tec
execute0_lowered:
.L_overlay_start_1:
0x0: {  	(tag) =	ssettag $0x1  }
0x1: {  	s6 =	rddreg [dreg:$0x0]  }
0x2: {  	s1 =	rddreg [dreg:$0x1]  }
0x3: {  	s2 =	srdreg.scid;
	s0 =	rddreg [dreg:$0x2];
	s3 =	simm.s32 $0x0  }
0x4: {  	s17 =	simm.s32 $0x80;
	s18 =	simm.s32 $0x3;
	s19 =	simm.s32 $0x4  }
0x5: {  	s20 =	simm.s32 $0x4200;
	s21 =	simm.s32 $0x1;
	s7 =	sand.u32 $0x1, s2  }
0x6: {  	s22 =	simm.s32 $0x100;
	s2 =	stileid.u32;
	s5 =	smul.u32 $0x140000, s7  }
0x7: {  	s23 =	simm.s32 $0x2;
	s28 =	simm.s32 $0x0;
	s8 =	smul.u32 $0x14000, s2  }
0x8: {  	[smem:$0x7FF] =	sst s3;
	s4 =	sadd.s32 $0x17200, s6;
	s10 =	smul.u32 $0x50000, s2  }
0x9: {  	s14 =	sadd.s32 $0x3200, s6;
	_ =	strace $0x8000004A;
	s13 =	smul.u32 $0x50000, s7  }
0xa: {  	s9 =	sshll.u32 s7, $0x4;
	s25 =	ssub.s32 $0x2, s7;
	s16 =	smul.u32 $0x5000, s2  }
0xb: {  	s24 =	sor.u32 s2, s9;
	s11 =	sshrl.u32 s25, $0x1;
	s5 =	sadd.s32 s8, s5  }
0xc: {  	s26 =	sshrl.u32 s10, $0x2;
	s29 =	smul.u32 $0x5000, s24;
	s15 =	ssub.s32 s25, s11  }
0xd: {  	s16 =	sadd.s32 s16, s13;
	s24 =	simm.s32 $0x180;
	s25 =	sshll.u32 s2, $0x6  }
0xe: {  	s8 =	sshrl.u32 s5, $0x3;
	s5 =	sadd.s32 $0x3F200, s6;
	s13 =	smax.u32 s15, $0x1  }
0xf: {  	s31 =	sshrl.u32 s16, $0x3;
	s15 =	simm.s32 $0x200;
	s16 =	simm.s32 $0x5  }
0x10: {  	s25 =	sor.u32 $0x1C05, s25;
	s12 =	sadd.s32 s8, s6;
	s6 =	sadd.s32 s26, s1  }
0x11: {  	s30 =	sshrl.u32 s29, $0x3;
	s7 =	sadd.s32 $0x4000, s6;
	s8 =	sadd.s32 $0x8000, s6  }
0x12: {  	s9 =	sadd.s32 $0xC000, s6;
	s10 =	sadd.s32 $0x10000, s6;
	s11 =	sadd.s32 s14, s30  }
0x13: {  	s12 =	sadd.s32 $0x40000, s12;
	s14 =	sadd.s32 s31, s14;
	s26 =	sshrl.u32 s6, $0x3  }
.LBB2_1:
0x14: {  	[tilespmem:s15], [sflag:$0x5] =	stream.linear.gather [hbm4b:s5+s3], $0x4000, $0x38;
	[tilespmem:$0x1C200] =	vst v63  }
0x15: {  	_ =	swait.ge [sflag:s16], $0x4000  }
0x16: {  	[sflag:s16] =	ssyncset.done $0x0  }
0x17: {  	[sflag:s16] =	ssyncadd.s32 $0xFFFFC000  }
0x18: {  	[spmem:s6] =	stream.linear.scatter [tilespmem:s15], [sflag:$0x5], $0x4000, $0x38;
	[tilespmem:$0x1C200] =	vst v63  }
0x19: {  	_ =	swait.ge [sflag:s16], $0x4000  }
0x1a: {  	[sflag:s16] =	ssyncset.done $0x0  }
0x1b: {  	[sflag:s16] =	ssyncadd.s32 $0xFFFFC000  }
0x1c: {  	[spmem:s7] =	stream.linear.scatter [tilespmem:s15], [sflag:$0x5], $0x4000, $0x38;
	[tilespmem:$0x1C200] =	vst v63  }
0x1d: {  	_ =	swait.ge [sflag:s16], $0x4000  }
0x1e: {  	[sflag:s16] =	ssyncset.done $0x0  }
0x1f: {  	[sflag:s16] =	ssyncadd.s32 $0xFFFFC000  }
0x20: {  	[spmem:s8] =	stream.linear.scatter [tilespmem:s15], [sflag:$0x5], $0x4000, $0x38;
	[tilespmem:$0x1C200] =	vst v63  }
0x21: {  	_ =	swait.ge [sflag:s16], $0x4000  }
0x22: {  	[sflag:s16] =	ssyncset.done $0x0  }
0x23: {  	[sflag:s16] =	ssyncadd.s32 $0xFFFFC000  }
0x24: {  	[spmem:s9] =	stream.linear.scatter [tilespmem:s15], [sflag:$0x5], $0x4000, $0x38;
	[tilespmem:$0x1C200] =	vst v63  }
0x25: {  	_ =	swait.ge [sflag:s16], $0x4000  }
0x26: {  	[sflag:s16] =	ssyncset.done $0x0  }
0x27: {  	[sflag:s16] =	ssyncadd.s32 $0xFFFFC000  }
0x28: {  	[spmem:s10] =	stream.linear.scatter [tilespmem:s15], [sflag:$0x5], $0x4000, $0x38;
	[tilespmem:$0x1C200] =	vst v63  }
0x29: {  	_ =	swait.ge [sflag:s16], $0x4000  }
0x2a: {  	[sflag:s16] =	ssyncset.done $0x0  }
0x2b: {  	[sflag:s16] =	ssyncadd.s32 $0xFFFFC000  }
0x2c: {  	[bflag:$0x0] =	sbarrier.arrive $0xFFFF  }
0x2d: {  	[tilespmem:s3], [sflag:$0x5] =	stream.linear.gather [hbm4b:s11+s3], $0x80, $0x38;
	[tilespmem:$0x1C200] =	vst v63  }
0x2e: {  	_ =	swait.ge [sflag:s16], $0x80  }
0x2f: {  	[sflag:s16] =	ssyncset.done $0x0  }
0x30: {  	[sflag:s16] =	ssyncadd.s32 $0xFFFFFF80  }
0x31: {  	[spmem:s1] =	stream.indirect.scatter.add.f32 [tilespmem:s15], [sflag:$0x3], $0x80, s3, s17, $0xb8;
	[tilespmem:$0x1C200] =	vst v63  }
0x32: {  	_ = 	snop  }
0x33: {  	[spmem:s1] =	stream.indirect.scatter.add.f32 [tilespmem:s15], [sflag:$0x4], $0x80, s3, s17, $0xb8;
	[tilespmem:$0x1C200] =	vst v63  }
0x34: {  	_ =	swait.ge [sflag:s18], $0x4000  }
0x35: {  	[sflag:s18] =	ssyncset.done $0x0  }
0x36: {  	[sflag:s18] =	ssyncadd.s32 $0xFFFFC000  }
0x37: {  	_ =	swait.ge [sflag:s19], $0x4000  }
0x38: {  	[sflag:s19] =	ssyncset.done $0x0  }
0x39: {  	s29 =	sadd.s32 $0x0, s14;
	[sflag:s19] =	ssyncadd.s32 $0xFFFFC000  }
0x3a: {  	[tilespmem:s3], [sflag:$0x5] =	stream.linear.gather [hbm4b:s29+s3], $0x200, $0x38;
	[tilespmem:$0x1C200] =	vst v63  }
0x3b: {  	_ =	swait.ge [sflag:s16], $0x200  }
0x3c: {  	[sflag:s16] =	ssyncset.done $0x0  }
0x3d: {  	[sflag:s16] =	ssyncadd.s32 $0xFFFFFE00  }
0x3e: {  	[tilespmem:s15], [sflag:$0x1] =	stream.indirect.gather [hbm4b:s4+s17], $0x80, s3, s17, $0xb8;
	[tilespmem:$0x1C200] =	vst v63  }
0x3f: {  	_ = 	snop  }
0x40: {  	[tilespmem:s20], [sflag:$0x2] =	stream.indirect.gather [hbm4b:s4+s17], $0x80, s17, s17, $0xb8;
	[tilespmem:$0x1C200] =	vst v63  }
0x41: {  	_ =	swait.ge [sflag:s21], $0x4000  }
0x42: {  	[sflag:s21] =	ssyncset.done $0x0  }
0x43: {  	[sflag:s21] =	ssyncadd.s32 $0xFFFFC000  }
0x44: {  	[spmem:s1] =	stream.indirect.scatter.add.f32 [tilespmem:s15], [sflag:$0x3], $0x80, s22, s17, $0xb8;
	[tilespmem:$0x1C200] =	vst v63  }
0x45: {  	_ =	swait.ge [sflag:s23], $0x4000  }
0x46: {  	[sflag:s23] =	ssyncset.done $0x0  }
0x47: {  	s29 =	simm.s32 $0x40;
	[sflag:s23] =	ssyncadd.s32 $0xFFFFC000  }
.LBB2_2:
0x48: {  	[spmem:s1] =	stream.indirect.scatter.add.f32 [tilespmem:s20], [sflag:$0x4], $0x80, s24, s17, $0xb8;
	[tilespmem:$0x1C200] =	vst v63  }
0x49: {  	s30 =	smov.u32 s29  }
0x4a: {  	p0 =	sne.s32 s29, $0x9C0;
	s29 =	sadd.s32 $0x40, s29;
	_ =	swait.ge [sflag:s18], $0x4000  }
0x4b: {  	[sflag:s18] =	ssyncset.done $0x0  }
0x4c: {  	[sflag:s18] =	ssyncadd.s32 $0xFFFFC000  }
0x4d: {  	_ =	swait.ge [sflag:s19], $0x4000  }
0x4e: {  	[sflag:s19] =	ssyncset.done $0x0  }
0x4f: {  	s30 =	sadd.s32 s30, s14;
	[sflag:s19] =	ssyncadd.s32 $0xFFFFC000  }
0x50: {  	[tilespmem:s3], [sflag:$0x5] =	stream.linear.gather [hbm4b:s30+s3], $0x200, $0x38;
	[tilespmem:$0x1C200] =	vst v63  }
0x51: {  	_ =	swait.ge [sflag:s16], $0x200  }
0x52: {  	[sflag:s16] =	ssyncset.done $0x0  }
0x53: {  	[sflag:s16] =	ssyncadd.s32 $0xFFFFFE00  }
0x54: {  	[tilespmem:s15], [sflag:$0x1] =	stream.indirect.gather [hbm4b:s4+s17], $0x80, s3, s17, $0xb8;
	[tilespmem:$0x1C200] =	vst v63  }
0x55: {  	_ = 	snop  }
0x56: {  	[tilespmem:s20], [sflag:$0x2] =	stream.indirect.gather [hbm4b:s4+s17], $0x80, s17, s17, $0xb8;
	[tilespmem:$0x1C200] =	vst v63  }
0x57: {  	_ =	swait.ge [sflag:s21], $0x4000  }
0x58: {  	[sflag:s21] =	ssyncset.done $0x0  }
.Ltmp0:
0x59: {  	[sflag:s21] =	ssyncadd.s32 $0xFFFFC000;
	(pc) =	sbr.rel @p0 .LBB2_2-.Ltmp0, $4  }
0x5a: {  	[spmem:s1] =	stream.indirect.scatter.add.f32 [tilespmem:s15], [sflag:$0x3], $0x80, s22, s17, $0xb8;
	[tilespmem:$0x1C200] =	vst v63  }
0x5b: {  	_ =	swait.ge [sflag:s23], $0x4000  }
0x5c: {  	[sflag:s23] =	ssyncset.done $0x0  }
0x5d: {  	[sflag:s23] =	ssyncadd.s32 $0xFFFFC000  }
0x5e: {  	[spmem:s1] =	stream.indirect.scatter.add.f32 [tilespmem:s20], [sflag:$0x4], $0x80, s24, s17, $0xb8;
	[tilespmem:$0x1C200] =	vst v63  }
0x5f: {  	_ =	swait.ge [sflag:s18], $0x4000  }
0x60: {  	[sflag:s18] =	ssyncset.done $0x0  }
0x61: {  	[sflag:s18] =	ssyncadd.s32 $0xFFFFC000  }
0x62: {  	_ =	swait.ge [sflag:s19], $0x4000  }
0x63: {  	s28 =	sadd.s32 $0x1, s28;
	[sflag:s19] =	ssyncset.done $0x0  }
0x64: {  	p0 =	sne.s32 s28, s13;
	[sflag:s19] =	ssyncadd.s32 $0xFFFFC000  }
.Ltmp1:
0x65: {  	[bflag:$0x0] =	sbarrier.arrive $0xFFFF;
	(pc) =	sbr.rel @p0 .LBB2_1-.Ltmp1, $4  }
0x66: {  	[hbm:s12], [sflag:s25] =	dma.local [spmem:s26], $0x2800  }
0x67: {  	_ =	swait.ge [sflag:s16], $0x2800  }
0x68: {  	[sflag:s16] =	ssyncset.done $0x0  }
0x69: {  	[sflag:s16] =	ssyncadd.s32 $0xFFFFD800  }
0x6a: {  	_ =	sfence.sel $0x180000  }
0x6b: {  	[bflag:$0x0] =	sbarrier.arrive $0xFFFF  }
0x6c: {  	p0 =	sne.s32 s2, $0x0;
	_ =	strace $0x9000004A  }
0x6d: {  	s0 =	sadd.s32 @!p0 $0x100000, s0;
	[bflag:$0x2] =	sbarrier.arrive $0xFFFF  }
0x6e: {  	[sflag:s0] =	ssyncadd.tile.s32 @!p0 $0x1;
	_ =	shalt  }
.Lfunc_end2:
_tile_overlayer_lowered:
.L_overlay_start_2:
0x6f: {  	(tag) =	ssettag $0x2  }
0x70: {  	s0 =	rddreg [dreg:$0x0];
	s2 =	stileid.u32  }
0x71: {  	s1 =	rddreg [dreg:$0x1];
	p0 =	sne.s32 s2, $0x0  }
0x72: {  	s3 =	rddreg [dreg:$0x2];
	[bflag:$0x3] =	sbarrier.arrive $0xFFFF;
	s2 =	simm.s32 @!p0 $0x1C05  }
0x73: {  	[timem:s3], [sflag:s2] =	dma.local @!p0 [hbm:s0], s1  }
0x74: {  	s0 =	simm.s32 @!p0 $0x5  }
0x75: {  	_ =	swait.ge @!p0 [sflag:s0], s1  }
0x76: {  	s1 =	ssub.s32 @!p0 $0x0, s1;
	[sflag:s0] =	ssyncset.done @!p0 $0x0  }
0x77: {  	[sflag:s0] =	ssyncadd.s32 @!p0 s1  }
0x78: {  	[bflag:$0x3] =	sbarrier.arrive $0xFFFF  }
0x79: {  	_ =	shalt  }

// kernel: kernel.7.cloned.1.call-start
scs
__scs_entry_jumppad:
0x0: {  	(pc) =	sbr.rel $0x88, $3  }
0x1: {  	(tag) =	ssettag $0x0;
	lr =	simm.s32 $0x1  }
0x2: {  	[smem:$0x3F90] =	sst lr;
	_ =	strace $0xD0000000  }
0x3: {  	_ = 	snop  }
0x4: {  	_ = 	snop  }
0x5: {  	_ = 	snop  }
0x6: {  	_ = 	snop  }
0x7: {  	_ = 	snop  }
__scs_overlays_trampoline_lowered:
0x8: {  	[smem:$0x3F9F] =	sst s0  }
0x9: {  	[smem:$0x3FA0] =	sst s1  }
0xa: {  	[smem:$0x3FA1] =	sst s2  }
0xb: {  	[smem:$0x3FA2] =	sst s3  }
0xc: {  	[smem:$0x3FA3] =	sst s4  }
0xd: {  	[smem:$0x3FA4] =	sst s5  }
0xe: {  	[smem:$0x3FA5] =	sst s6  }
0xf: {  	[smem:$0x3FA6] =	sst s7  }
0x10: {  	[smem:$0x3FA7] =	sst s8  }
0x11: {  	[smem:$0x3FA8] =	sst s9;
	s0 =	simm.s32 @!p0 $0x0  }
0x12: {  	s1 =	sld [smem:$0x3F8E];
	s0 =	simm.s32 @p0 $0x1  }
0x13: {  	[smem:$0x3FA9] =	sst s0;
	s0 =	simm.s32 @!p1 $0x0  }
0x14: {  	s2 =	sld [smem:$0x3F8D];
	s0 =	simm.s32 @p1 $0x1  }
0x15: {  	[smem:$0x3FAA] =	sst s0;
	s0 =	simm.s32 @!p2 $0x0  }
0x16: {  	s3 =	sld [smem:$0x3FDB];
	s0 =	simm.s32 @p2 $0x1  }
0x17: {  	s4 =	simm.s32 $0x1BF5;
	[smem:$0x3FAC] =	sst s0  }
0x18: {  	s0 =	sld [smem:$0x3F8F];
	_ =	swait.ge [sflag:s4], $0x0  }
0x19: {  	s7 =	sld [smem:$0x3F90]  }
0x1a: {  	s8 =	sadd.s32 $0xFFFFE003, lr  }
0x1b: {  	s9 =	sadd.s32 $0xFFFFFEF7, lr;
	s5 =	simm.s32 $0xFFFFFFFF;
	p2 =	slt.u32 s8, $0xFFFFF086  }
0x1c: {  	p1 =	slt.u32 s9, $0xF7A;
	s5 =	simm.s32 @!p2 $0x0  }
0x1d: {  	s5 =	simm.s32 @p1 $0x1;
	p0 =	seq.s32 s7, s2  }
0x1e: {  	s7 =	smul.u32 @!p0 $0xF7A, s2;
	p2 =	seq.s32 @!p0 s5, $0x0  }
0x1f: {  	s9 =	smul.u32 $0xF7A, s1;
	s8 =	simm.s32 @!p0 $0x1BF5;
	p2 =	por !p2, p0  }
0x20: {  	[sflag:s8] =	ssyncset.s32 @!p0 $0xFFFFF086;
	s6 =	sadd.s32 @!p0 s3, s7;
	s7 =	simm.s32 @!p0 $0x108  }
0x21: {  	s3 =	sadd.s32 s3, s9;
	s6 =	sadd.s32 @!p0 $0x88, s6;
	s7 =	simm.s32 @p2 $0x1082  }
0x22: {  	[simem:s7], [sflag:s8] =	dma.local @!p0 [hbm:s6], $0xF7A  }
0x23: {  	s9 =	sor.u32 $0xD0000000, s2;
	s6 =	simm.s32 $0x108;
	_ =	swait.ge @!p0 [sflag:s8], $0x0  }
0x24: {  	s3 =	sadd.s32 $0x88, s3;
	s6 =	simm.s32 @!p1 $0x1082;
	[sflag:s4] =	ssyncset.s32 $0xFFFFF086  }
0x25: {  	[simem:s6], [sflag:s4] =	dma.local [hbm:s3], $0xF7A  }
0x26: {  	[smem:$0x3F90] =	sst s1;
	(tag) =	ssettag s2;
	_ =	strace s9  }
0x27: {  	s1 =	sld [smem:$0x3FA0]  }
0x28: {  	s2 =	sld [smem:$0x3FA1]  }
0x29: {  	s4 =	sld [smem:$0x3FA3]  }
0x2a: {  	p0 =	seq.s32 s5, $0x0;
	s5 =	sld [smem:$0x3FA4]  }
0x2b: {  	s6 =	sld [smem:$0x3FA5]  }
0x2c: {  	s7 =	sld [smem:$0x3FA6]  }
0x2d: {  	s3 =	simm.s32 $0x108;
	s8 =	sld [smem:$0x3FA7]  }
0x2e: {  	s3 =	simm.s32 @!p0 $0x1082;
	s9 =	sld [smem:$0x3FA8]  }
0x2f: {  	lr =	sadd.s32 s0, s3;
	s0 =	sld [smem:$0x3F9F]  }
0x30: {  	s3 =	sld [smem:$0x3FA2]  }
0x31: {  	[smem:$0x3FAB] =	sst s10  }
0x32: {  	s10 =	sld [smem:$0x3FA9];
	_ =	sdelay $0x3  }
0x33: {  	p0 =	seq.s32 s10, $0x1;
	s10 =	sld [smem:$0x3FAB];
	_ =	sdelay $0x3  }
0x34: {  	[smem:$0x3FAB] =	sst s10  }
0x35: {  	s10 =	sld [smem:$0x3FAA];
	_ =	sdelay $0x3  }
0x36: {  	p1 =	seq.s32 s10, $0x1;
	s10 =	sld [smem:$0x3FAB];
	_ =	sdelay $0x3  }
0x37: {  	[smem:$0x3FAB] =	sst s10  }
0x38: {  	s10 =	sld [smem:$0x3FAC]  }
0x39: {  	_ = 	snop;
	(pc) =	sbr.ind lr, $3  }
0x3a: {  	_ = 	snop  }
0x3b: {  	_ = 	snop  }
0x3c: {  	p2 =	seq.s32 s10, $0x1;
	s10 =	sld [smem:$0x3FAB]  }
0x3d: {  	_ =	shalt  }
0x3e: {  	_ =	shalt  }
0x3f: {  	_ =	shalt  }
0x40: {  	_ =	shalt  }
0x41: {  	_ =	shalt  }
0x42: {  	_ =	shalt  }
0x43: {  	_ =	shalt  }
0x44: {  	_ =	shalt  }
0x45: {  	_ =	shalt  }
0x46: {  	_ =	shalt  }
0x47: {  	_ =	shalt  }
0x48: {  	_ =	shalt  }
0x49: {  	_ =	shalt  }
0x4a: {  	_ =	shalt  }
0x4b: {  	_ =	shalt  }
0x4c: {  	_ =	shalt  }
0x4d: {  	_ =	shalt  }
0x4e: {  	_ =	shalt  }
0x4f: {  	_ =	shalt  }
0x50: {  	_ =	shalt  }
0x51: {  	_ =	shalt  }
0x52: {  	_ =	shalt  }
0x53: {  	_ =	shalt  }
0x54: {  	_ =	shalt  }
0x55: {  	_ =	shalt  }
0x56: {  	_ =	shalt  }
0x57: {  	_ =	shalt  }
0x58: {  	_ =	shalt  }
0x59: {  	_ =	shalt  }
0x5a: {  	_ =	shalt  }
0x5b: {  	_ =	shalt  }
0x5c: {  	_ =	shalt  }
0x5d: {  	_ =	shalt  }
0x5e: {  	_ =	shalt  }
0x5f: {  	_ =	shalt  }
0x60: {  	_ =	shalt  }
0x61: {  	_ =	shalt  }
0x62: {  	_ =	shalt  }
0x63: {  	_ =	shalt  }
0x64: {  	_ =	shalt  }
0x65: {  	_ =	shalt  }
0x66: {  	_ =	shalt  }
0x67: {  	_ =	shalt  }
0x68: {  	_ =	shalt  }
0x69: {  	_ =	shalt  }
0x6a: {  	_ =	shalt  }
0x6b: {  	_ =	shalt  }
0x6c: {  	_ =	shalt  }
0x6d: {  	_ =	shalt  }
0x6e: {  	_ =	shalt  }
0x6f: {  	_ =	shalt  }
0x70: {  	_ =	shalt  }
0x71: {  	_ =	shalt  }
0x72: {  	_ =	shalt  }
0x73: {  	_ =	shalt  }
0x74: {  	_ =	shalt  }
0x75: {  	_ =	shalt  }
0x76: {  	_ =	shalt  }
0x77: {  	_ =	shalt  }
0x78: {  	_ =	shalt  }
0x79: {  	_ =	shalt  }
0x7a: {  	_ =	shalt  }
0x7b: {  	_ =	shalt  }
0x7c: {  	_ =	shalt  }
0x7d: {  	_ =	shalt  }
0x7e: {  	_ =	shalt  }
0x7f: {  	_ =	shalt  }
0x80: {  	_ =	shalt  }
0x81: {  	_ =	shalt  }
0x82: {  	_ =	shalt  }
0x83: {  	_ =	shalt  }
0x84: {  	_ =	shalt  }
0x85: {  	_ =	shalt  }
0x86: {  	_ =	shalt  }
0x87: {  	_ =	shalt  }
.Lfunc_end0:
.L_simem_size_0:
called_computation_lowered:
.L_overlay_start_0:
0x88: {  	s2 =	sld [smem:$0x3FD9]  }
0x89: {  	s3 =	sld [smem:$0x3FFE];
	_ =	sdelay $0x1  }
0x8a: {  	s1 =	srdreg.scid  }
0x8b: {  	s0 =	sand.u32 $0x1, s1  }
0x8c: {  	s16 =	sshll.u32 s0, $0xA;
	s2 =	sadd.s32 s3, s2  }
0x8d: {  	s2 =	sadd.s32 s2, s16  }
0x8e: {  	[smem:$0x3FB7] =	sst s2  }
0x8f: {  	_ = 	snop  }
0x90: {  	(tm) =	ssettm $0x1  }
0x91: {  	s17 =	sld [smem:$0x3FFB];
	_ =	sdelay $0x3  }
0x92: {  	_ =	strace s17  }
0x93: {  	s2 =	sld [smem:$0x3FFC];
	_ =	sdelay $0x3  }
0x94: {  	_ =	strace s2  }
0x95: {  	s2 =	sld [smem:$0x3FFD];
	_ =	sdelay $0x3  }
0x96: {  	_ =	strace s2  }
0x97: {  	_ =	strace $0x8FFFFFFF  }
0x98: {  	s18 =	sld [smem:$0x3FDB];
	_ =	sdelay $0x1  }
0x99: {  	s19 =	simm.s32 $_scs_section_size  }
0x9a: {  	s4 =	simm.s32 $_size__tile_overlayer_lowered;
	s5 =	simm.s32 $_tile_overlayer_lowered  }
0x9b: {  	s22 =	simm.s32 $0x1BFF;
	s21 =	sshll.u32 s5, $0x1;
	s2 =	sadd.s32 s19, s18  }
0x9c: {  	s6 =	simm.s32 $0x0;
	s20 =	sshll.u32 s4, $0x1;
	s4 =	sadd.s32 s21, s2  }
0x9d: {  	[timem:s6], [sflag:s22] =	dma.local [hbm:s4], s20  }
0x9e: {  	_ =	swait.ge [sflag:s22], s20  }
0x9f: {  	s3 =	ssub.s32 $0x0, s20;
	[sflag:s22] =	ssyncset.done $0x0  }
0xa0: {  	[sflag:s22] =	ssyncadd.s32 s3;
	_ =	sdelay $0x1  }
0xa1: {  	s23 =	simm.s32 $0x1B8B  }
0xa2: {  	_ =	swait.ge [sflag:s23], $0x1  }
0xa3: {  	[sflag:s23] =	ssyncset.done $0x0  }
0xa4: {  	s25 =	simm.s32 $0x1B8E;
	s24 =	sld [smem:$0x3FFE];
	[sflag:s23] =	ssyncadd.s32 $0xFFFFFFFF  }
0xa5: {  	s26 =	simm.s32 $execute0_lowered;
	[smem:$0x3FD2] =	sst s25  }
0xa6: {  	s4 =	sshll.u32 s26, $0x1;
	_ =	strace $0x80000046;
	[dreg:$0x1] =	wrdreg $0xFFFFFFFF  }
0xa7: {  	s28 =	simm.s32 $_size_execute0_lowered;
	s2 =	sadd.s32 s2, s4;
	[dreg:$0x0] =	wrdreg $0x0  }
0xa8: {  	s4 =	sshll.u32 s28, $0x1;
	[dreg:$0x2] =	wrdreg s2  }
0xa9: {  	[dreg:$0x3] =	wrdreg s4  }
0xaa: {  	[dreg:$0x4] =	wrdreg $0xC0  }
0xab: {  	_ =	task [dreg:s6], $0x5FFFF  }
0xac: {  	[dreg:$0x1] =	wrdreg $0xFFFFFFFF  }
0xad: {  	[dreg:$0x0] =	wrdreg $0x60  }
0xae: {  	[dreg:$0x2] =	wrdreg s24  }
0xaf: {  	[dreg:$0x3] =	wrdreg $0x82000  }
0xb0: {  	[dreg:$0x4] =	wrdreg $0x9  }
0xb1: {  	_ =	task.clear_ibuf [dreg:s6], $0x5FFFF;
	_ =	strace $0x90000046  }
0xb2: {  	s29 =	simm.s32 $0x9;
	_ =	strace $0x80000048  }
0xb3: {  	_ =	swait.ge [sflag:s29], $0x1  }
0xb4: {  	[sflag:s29] =	ssyncadd.s32 $0xFFFFFFFF  }
0xb5: {  	_ =	strace $0x90000048  }
0xb6: {  	_ =	sfence  }
0xb7: {  	s30 =	sld [smem:$0x0];
	_ =	sdelay $0x2  }
0xb8: {  	s31 =	sshll.u32 s1, $0xD;
	s1 =	sshrl.u32 s1, $0x2  }
0xb9: {  	s3 =	sand.u32 $0x4000, s31;
	s1 =	sadd.s32 s1, s30  }
0xba: {  	s0 =	sor.u32 s3, s0;
	s1 =	sshll.u32 s1, $0x11  }
0xbb: {  	s0 =	sor.u32 s1, s0  }
0xbc: {  	s0 =	sadd.s32 $0x8F2B, s0  }
0xbd: {  	[sflag:s0] =	ssyncadd.remote.s32 $0x1  }
0xbe: {  	_ =	sfence.sel $0xFFFF  }
0xbf: {  	[dreg:$0x0] =	wrdreg $0xFFFFFFFF;
	(pc) =	sbr.abs _section_cstart, $3  }
0xc0: {  	[dreg:$0x1] =	wrdreg $0xFFFFFFFF  }
0xc1: {  	_ =	task.clear_ibuf [dreg:s6], $0x2FFFF;
	_ =	strace $0x9FFFFFFF  }
0xc2: {  	(tm) =	ssettm $0x7FFFFFFF  }
0xc3: {  	_ =	shalt  }
tec
execute0_lowered:
.L_overlay_start_1:
0x0: {  	(tag) =	ssettag $0x1  }
0x1: {  	s7 =	rddreg [dreg:$0x0]  }
0x2: {  	s0 =	srdreg.scid;
	s2 =	rddreg [dreg:$0x1]  }
0x3: {  	s1 =	stileid.u32;
	s3 =	simm.s32 $0x0;
	s19 =	simm.s32 $0x1C200  }
0x4: {  	s28 =	simm.s32 $0x180;
	s29 =	simm.s32 $0x400;
	s10 =	smul.u32 $0x14000, s1  }
0x5: {  	s30 =	simm.s32 $0x0;
	s8 =	sand.u32 $0x1, s0;
	s22 =	smul.u32 $0x50000, s1  }
0x6: {  	[smem:$0x7FF] =	sst s3;
	s5 =	sshll.u32 s1, $0x7;
	s18 =	smul.u32 $0x5000, s1  }
0x7: {  	s16 =	sadd.s32 $0x3200, s7;
	s4 =	sshll.u32 s8, $0x4;
	s6 =	smul.u32 $0x140000, s8  }
0x8: {  	_ =	strace $0x80000047;
	s12 =	sand.u32 $0x380, s5;
	s5 =	sadd.s32 $0x3F200, s7  }
0x9: {  	s23 =	ssub.s32 $0x2, s8;
	s15 =	smul.u32 $0x50000, s8;
	s9 =	sor.u32 s1, s4  }
0xa: {  	s24 =	sshrl.u32 s22, $0x2;
	s26 =	sshrl.u32 s23, $0x1;
	s22 =	simm.s32 $0x4  }
0xb: {  	s4 =	sshrl.u32 s9, $0x3;
	s6 =	sadd.s32 s10, s6;
	s25 =	smul.u32 $0x5000, s9  }
0xc: {  	s17 =	ssub.s32 s23, s26;
	s15 =	sadd.s32 s18, s15;
	s23 =	simm.s32 $0x4200  }
0xd: {  	s26 =	simm.s32 $0x2;
	s11 =	smul.u32 $0x14000, s4;
	s4 =	sadd.s32 $0x17200, s7  }
0xe: {  	s21 =	sshrl.u32 s6, $0x3;
	s6 =	sadd.s32 $0x3FA00, s7;
	s18 =	sshrl.u32 s15, $0x3  }
0xf: {  	s15 =	smax.u32 s17, $0x1;
	s17 =	simm.s32 $0x200;
	s13 =	sadd.s32 s21, s7  }
0x10: {  	s31 =	sshrl.u32 s25, $0x3;
	s21 =	simm.s32 $0x3;
	s25 =	simm.s32 $0x100  }
0x11: {  	s20 =	sor.u32 s12, s11;
	s12 =	sadd.s32 s16, s31;
	s13 =	sadd.s32 $0x4A000, s13  }
0x12: {  	s16 =	sadd.s32 s18, s16;
	s18 =	simm.s32 $0x5;
	s10 =	sshrl.u32 s20, $0x3  }
0x13: {  	s20 =	simm.s32 $0x80;
	s14 =	sadd.s32 s10, s7;
	s7 =	sadd.s32 s24, s2  }
0x14: {  	s24 =	simm.s32 $0x1;
	s8 =	sadd.s32 $0x4000, s7;
	s9 =	sadd.s32 $0x8000, s7  }
0x15: {  	v0 =	vimm.f32 $1.000000000e+00;
	s10 =	sadd.s32 $0xC000, s7;
	s11 =	sadd.s32 $0x10000, s7;
	s14 =	sadd.s32 $0x40000, s14  }
.LBB2_1:
0x16: {  	[tilespmem:s17], [sflag:$0x5] =	stream.linear.gather [hbm4b:s5+s3], $0x4000, $0x38;
	[tilespmem:$0x1EA00] =	vst v63  }
0x17: {  	_ =	swait.ge [sflag:s18], $0x4000  }
0x18: {  	[sflag:s18] =	ssyncset.done $0x0  }
0x19: {  	[sflag:s18] =	ssyncadd.s32 $0xFFFFC000  }
0x1a: {  	[spmem:s7] =	stream.linear.scatter [tilespmem:s17], [sflag:$0x5], $0x4000, $0x38;
	[tilespmem:$0x1EA00] =	vst v63  }
0x1b: {  	_ =	swait.ge [sflag:s18], $0x4000  }
0x1c: {  	[sflag:s18] =	ssyncset.done $0x0  }
0x1d: {  	[sflag:s18] =	ssyncadd.s32 $0xFFFFC000  }
0x1e: {  	[spmem:s8] =	stream.linear.scatter [tilespmem:s17], [sflag:$0x5], $0x4000, $0x38;
	[tilespmem:$0x1EA00] =	vst v63  }
0x1f: {  	_ =	swait.ge [sflag:s18], $0x4000  }
0x20: {  	[sflag:s18] =	ssyncset.done $0x0  }
0x21: {  	[sflag:s18] =	ssyncadd.s32 $0xFFFFC000  }
0x22: {  	[spmem:s9] =	stream.linear.scatter [tilespmem:s17], [sflag:$0x5], $0x4000, $0x38;
	[tilespmem:$0x1EA00] =	vst v63  }
0x23: {  	_ =	swait.ge [sflag:s18], $0x4000  }
0x24: {  	[sflag:s18] =	ssyncset.done $0x0  }
0x25: {  	[sflag:s18] =	ssyncadd.s32 $0xFFFFC000  }
0x26: {  	[spmem:s10] =	stream.linear.scatter [tilespmem:s17], [sflag:$0x5], $0x4000, $0x38;
	[tilespmem:$0x1EA00] =	vst v63  }
0x27: {  	_ =	swait.ge [sflag:s18], $0x4000  }
0x28: {  	[sflag:s18] =	ssyncset.done $0x0  }
0x29: {  	[sflag:s18] =	ssyncadd.s32 $0xFFFFC000  }
0x2a: {  	[spmem:s11] =	stream.linear.scatter [tilespmem:s17], [sflag:$0x5], $0x4000, $0x38;
	[tilespmem:$0x1EA00] =	vst v63  }
0x2b: {  	_ =	swait.ge [sflag:s18], $0x4000  }
0x2c: {  	[sflag:s18] =	ssyncset.done $0x0  }
0x2d: {  	[sflag:s18] =	ssyncadd.s32 $0xFFFFC000  }
0x2e: {  	[tilespmem:s19], [sflag:$0x5] =	stream.linear.gather [hbm4b:s6+s3], $0x2800, $0x38;
	[tilespmem:$0x1EA00] =	vst v63  }
0x2f: {  	_ =	swait.ge [sflag:s18], $0x2800  }
0x30: {  	[sflag:s18] =	ssyncset.done $0x0  }
0x31: {  	[sflag:s18] =	ssyncadd.s32 $0xFFFFD800  }
0x32: {  	[bflag:$0x0] =	sbarrier.arrive $0xFFFF  }
0x33: {  	[tilespmem:s3], [sflag:$0x5] =	stream.linear.gather [hbm4b:s12+s3], $0x80, $0x38;
	[tilespmem:$0x1EA00] =	vst v63  }
0x34: {  	_ =	swait.ge [sflag:s18], $0x80  }
0x35: {  	[sflag:s18] =	ssyncset.done $0x0  }
0x36: {  	[sflag:s18] =	ssyncadd.s32 $0xFFFFFF80  }
0x37: {  	[spmem:s2] =	stream.indirect.scatter.add.f32 [tilespmem:s17], [sflag:$0x3], $0x80, s3, s20, $0xb8;
	[tilespmem:$0x1EA00] =	vst v63  }
0x38: {  	s31 =	simm.s32 $0x0  }
0x39: {  	[spmem:s2] =	stream.indirect.scatter.add.f32 [tilespmem:s17], [sflag:$0x4], $0x80, s3, s20, $0xb8;
	[tilespmem:$0x1EA00] =	vst v63  }
.LBB2_2:
0x3a: {  	_ =	swait.ge [sflag:s21], $0x4000  }
0x3b: {  	[sflag:s21] =	ssyncset.done $0x0  }
0x3c: {  	[sflag:s21] =	ssyncadd.s32 $0xFFFFC000  }
0x3d: {  	_ =	swait.ge [sflag:s22], $0x4000  }
0x3e: {  	[sflag:s22] =	ssyncset.done $0x0  }
0x3f: {  	s0 =	sadd.s32 s31, s16;
	[sflag:s22] =	ssyncadd.s32 $0xFFFFC000  }
0x40: {  	[tilespmem:s3], [sflag:$0x5] =	stream.linear.gather [hbm4b:s0+s3], $0x200, $0x38;
	[tilespmem:$0x1EA00] =	vst v63  }
0x41: {  	_ =	swait.ge [sflag:s18], $0x200  }
0x42: {  	[sflag:s18] =	ssyncset.done $0x0  }
0x43: {  	[sflag:s18] =	ssyncadd.s32 $0xFFFFFE00  }
0x44: {  	[tilespmem:s17], [sflag:$0x1] =	stream.indirect.gather [hbm4b:s4+s20], $0x80, s3, s20, $0xb8;
	[tilespmem:$0x1EA00] =	vst v63  }
0x45: {  	_ = 	snop  }
0x46: {  	[tilespmem:s23], [sflag:$0x2] =	stream.indirect.gather [hbm4b:s4+s20], $0x80, s20, s20, $0xb8;
	[tilespmem:$0x1EA00] =	vst v63  }
0x47: {  	v1 =	vld [tilespmem:$0x100];
	_ =	sdelay $0x7  }
0x48: {  	[tilespmem:v1+s19+$0x0] =	vst.idx.add.f32.msk $0xffff, v0  }
0x49: {  	v1 =	vld [tilespmem:$0x110];
	_ =	sdelay $0x7  }
0x4a: {  	[tilespmem:v1+s19+$0x0] =	vst.idx.add.f32.msk $0xffff, v0  }
0x4b: {  	v1 =	vld [tilespmem:$0x120];
	_ =	sdelay $0x7  }
0x4c: {  	[tilespmem:v1+s19+$0x0] =	vst.idx.add.f32.msk $0xffff, v0  }
0x4d: {  	v1 =	vld [tilespmem:$0x130];
	_ =	sdelay $0x7  }
0x4e: {  	[tilespmem:v1+s19+$0x0] =	vst.idx.add.f32.msk $0xffff, v0  }
0x4f: {  	v1 =	vld [tilespmem:$0x140];
	_ =	sdelay $0x7  }
0x50: {  	[tilespmem:v1+s19+$0x0] =	vst.idx.add.f32.msk $0xffff, v0  }
0x51: {  	v1 =	vld [tilespmem:$0x150];
	_ =	sdelay $0x7  }
0x52: {  	[tilespmem:v1+s19+$0x0] =	vst.idx.add.f32.msk $0xffff, v0  }
0x53: {  	v1 =	vld [tilespmem:$0x160];
	_ =	sdelay $0x7  }
0x54: {  	[tilespmem:v1+s19+$0x0] =	vst.idx.add.f32.msk $0xffff, v0  }
0x55: {  	v1 =	vld [tilespmem:$0x170];
	_ =	sdelay $0x7  }
0x56: {  	[tilespmem:v1+s19+$0x0] =	vst.idx.add.f32.msk $0xffff, v0  }
0x57: {  	v1 =	vld [tilespmem:$0x180];
	_ =	sdelay $0x7  }
0x58: {  	[tilespmem:v1+s19+$0x0] =	vst.idx.add.f32.msk $0xffff, v0  }
0x59: {  	v1 =	vld [tilespmem:$0x190];
	_ =	sdelay $0x7  }
0x5a: {  	[tilespmem:v1+s19+$0x0] =	vst.idx.add.f32.msk $0xffff, v0  }
0x5b: {  	v1 =	vld [tilespmem:$0x1A0];
	_ =	sdelay $0x7  }
0x5c: {  	[tilespmem:v1+s19+$0x0] =	vst.idx.add.f32.msk $0xffff, v0  }
0x5d: {  	v1 =	vld [tilespmem:$0x1B0];
	_ =	sdelay $0x7  }
0x5e: {  	[tilespmem:v1+s19+$0x0] =	vst.idx.add.f32.msk $0xffff, v0  }
0x5f: {  	v1 =	vld [tilespmem:$0x1C0];
	_ =	sdelay $0x7  }
0x60: {  	[tilespmem:v1+s19+$0x0] =	vst.idx.add.f32.msk $0xffff, v0  }
0x61: {  	v1 =	vld [tilespmem:$0x1D0];
	_ =	sdelay $0x7  }
0x62: {  	[tilespmem:v1+s19+$0x0] =	vst.idx.add.f32.msk $0xffff, v0  }
0x63: {  	v1 =	vld [tilespmem:$0x1E0];
	_ =	sdelay $0x7  }
0x64: {  	[tilespmem:v1+s19+$0x0] =	vst.idx.add.f32.msk $0xffff, v0  }
0x65: {  	v1 =	vld [tilespmem:$0x1F0];
	_ =	sdelay $0x7  }
0x66: {  	[tilespmem:v1+s19+$0x0] =	vst.idx.add.f32.msk $0xffff, v0  }
0x67: {  	_ =	swait.ge [sflag:s24], $0x4000  }
0x68: {  	[sflag:s24] =	ssyncset.done $0x0  }
0x69: {  	p0 =	sne.s32 s31, $0x9C0;
	[sflag:s24] =	ssyncadd.s32 $0xFFFFC000  }
0x6a: {  	[spmem:s2] =	stream.indirect.scatter.add.f32 [tilespmem:s17], [sflag:$0x3], $0x80, s25, s20, $0xb8;
	[tilespmem:$0x1EA00] =	vst v63  }
.Ltmp0:
0x6b: {  	_ = 	snop;
	(pc) =	sbr.rel @p0 .LBB2_2-.Ltmp0, $4  }
0x6c: {  	_ =	swait.ge [sflag:s26], $0x4000  }
0x6d: {  	[sflag:s26] =	ssyncset.done $0x0  }
0x6e: {  	s31 =	sadd.s32 $0x40, s31;
	[sflag:s26] =	ssyncadd.s32 $0xFFFFC000  }
0x6f: {  	[spmem:s2] =	stream.indirect.scatter.add.f32 [tilespmem:s23], [sflag:$0x4], $0x80, s28, s20, $0xb8;
	[tilespmem:$0x1EA00] =	vst v63  }
0x70: {  	_ =	swait.ge [sflag:s21], $0x4000  }
0x71: {  	[sflag:s21] =	ssyncset.done $0x0  }
0x72: {  	[sflag:s21] =	ssyncadd.s32 $0xFFFFC000  }
0x73: {  	_ =	swait.ge [sflag:s22], $0x4000  }
0x74: {  	[sflag:s22] =	ssyncset.done $0x0  }
0x75: {  	s0 =	sshll.u32 s1, $0x6;
	[sflag:s22] =	ssyncadd.s32 $0xFFFFC000  }
0x76: {  	s31 =	sshrl.u32 s7, $0x3;
	s0 =	sor.u32 $0x1C05, s0;
	[bflag:$0x0] =	sbarrier.arrive $0xFFFF  }
0x77: {  	[hbm:s13], [sflag:s0] =	dma.local [spmem:s31], $0x2800  }
0x78: {  	s30 =	sadd.s32 $0x1, s30;
	_ =	swait.ge [sflag:s18], $0x2800  }
0x79: {  	p0 =	sne.s32 s30, s15;
	[sflag:s18] =	ssyncset.done $0x0  }
.Ltmp1:
0x7a: {  	[sflag:s18] =	ssyncadd.s32 $0xFFFFD800;
	(pc) =	sbr.rel @p0 .LBB2_1-.Ltmp1, $4  }
0x7b: {  	[hbm4b:s14+s20] =	stream.strided.scatter [tilespmem:s19], [sflag:$0x5], $0x2800, s29, s20, $0x38;
	[tilespmem:$0x1EA00] =	vst v63  }
0x7c: {  	_ =	swait.ge [sflag:s18], $0x2800  }
0x7d: {  	[sflag:s18] =	ssyncset.done $0x0  }
0x7e: {  	[sflag:s18] =	ssyncadd.s32 $0xFFFFD800  }
0x7f: {  	_ =	sfence.sel $0x180000  }
0x80: {  	[bflag:$0x0] =	sbarrier.arrive $0xFFFF  }
0x81: {  	_ =	strace $0x90000047  }
0x82: {  	[bflag:$0x2] =	sbarrier.arrive $0xFFFF  }
0x83: {  	p0 =	sne.s32 s1, $0x0;
	s0 =	rddreg [dreg:$0x2]  }
0x84: {  	s0 =	sadd.s32 @!p0 $0x100000, s0  }
0x85: {  	[sflag:s0] =	ssyncadd.tile.s32 @!p0 $0x1;
	_ =	shalt  }
.Lfunc_end2:
_tile_overlayer_lowered:
.L_overlay_start_2:
0x86: {  	(tag) =	ssettag $0x2  }
0x87: {  	s0 =	rddreg [dreg:$0x0];
	s2 =	stileid.u32  }
0x88: {  	s1 =	rddreg [dreg:$0x1];
	p0 =	sne.s32 s2, $0x0  }
0x89: {  	s3 =	rddreg [dreg:$0x2];
	[bflag:$0x3] =	sbarrier.arrive $0xFFFF;
	s2 =	simm.s32 @!p0 $0x1C05  }
0x8a: {  	[timem:s3], [sflag:s2] =	dma.local @!p0 [hbm:s0], s1  }
0x8b: {  	s0 =	simm.s32 @!p0 $0x5  }
0x8c: {  	_ =	swait.ge @!p0 [sflag:s0], s1  }
0x8d: {  	s1 =	ssub.s32 @!p0 $0x0, s1;
	[sflag:s0] =	ssyncset.done @!p0 $0x0  }
0x8e: {  	[sflag:s0] =	ssyncadd.s32 @!p0 s1  }
0x8f: {  	[bflag:$0x3] =	sbarrier.arrive $0xFFFF  }
0x90: {  	_ =	shalt  }

</sc_bundles>
